<compile_context>
chip_gen: v7x
topology: tpu7x:2x2x1
jax: 0.10.2.dev20260603
libtpu: 0.0.44.dev20260713+nightly
codegen_flags: <defaults>
</compile_context>

<pallas_src>
import functools

import jax
import jax.numpy as jnp
from jax import lax
from jax.experimental import pallas as pl
from jax.experimental.pallas import tpu as pltpu
from jax.experimental.pallas import tpu_sc as plsc

N = 320000
D = 128
S = 10000
H = S // 2
CHUNK = 128
NCH = N // CHUNK
NC = 2
NS = 16
NJUNK = 8
ACC_ROWS = H + NJUNK
IDX_T = 160
ZROWS = 78
SUB_ROWS = 312
TAIL_Z = ACC_ROWS - NS * SUB_ROWS
TAIL_O = H - NS * SUB_ROWS


def _sc_segment_sum(values, seg_adj):
    mesh = plsc.VectorSubcoreMesh(core_axis_name="c", subcore_axis_name="s")

    @functools.partial(
        pl.kernel,
        mesh=mesh,
        out_type=jax.ShapeDtypeStruct((S, D), jnp.float32),
        scratch_types=[
            pltpu.VMEM((IDX_T, CHUNK), jnp.int32),
            pltpu.VMEM((3, CHUNK, D), jnp.float32),
            pltpu.VMEM((ZROWS, D), jnp.float32),
            pltpu.VMEM_SHARED((ACC_ROWS, D), jnp.float32),
            pltpu.SemaphoreType.DMA,
            pltpu.SemaphoreType.DMA,
        ],
    )
    def k(vals_hbm, seg_hbm, out_hbm, idx_v, buf_v, zero_v, acc_sh,
          sem_in, sem_out):
        c = lax.axis_index("c")
        s = lax.axis_index("s")

        def zrow(i, carry):
            for kk in range(D // 16):
                zero_v[i, pl.ds(16 * kk, 16)] = jnp.zeros((16,), jnp.float32)
            return carry
        lax.fori_loop(0, ZROWS, zrow, 0)
        for r in range(SUB_ROWS // ZROWS):
            pltpu.sync_copy(
                zero_v, acc_sh.at[pl.ds(s * SUB_ROWS + r * ZROWS, ZROWS)])

        @pl.when(s == NS - 1)
        def _():
            pltpu.sync_copy(zero_v.at[pl.ds(0, TAIL_Z)],
                            acc_sh.at[pl.ds(NS * SUB_ROWS, TAIL_Z)])

        pltpu.sync_copy(seg_hbm.at[c, s], idx_v)
        plsc.subcore_barrier()

        def relevant(t):
            probe = idx_v[t, pl.ds(c * (CHUNK - 16), 16)]
            return jnp.where(c == 0, probe[0], probe[15]) < H

        def start(t):
            ch = t * NS + s
            pltpu.make_async_copy(
                vals_hbm.at[pl.ds(ch * CHUNK, CHUNK)],
                buf_v.at[lax.rem(t, 3)], sem_in).start()

        for t0 in range(2):
            @pl.when(relevant(t0))
            def _():
                start(t0)

        def body(t, carry):
            tm1 = jnp.maximum(t - 1, 0)
            tcur = jnp.minimum(t, IDX_T - 1)
            tp2 = jnp.minimum(t + 2, IDX_T - 1)

            @pl.when((t >= 1) & relevant(tm1))
            def _():
                pltpu.make_async_copy(
                    buf_v.at[lax.rem(tm1, 3)],
                    acc_sh.at[idx_v.at[tm1]],
                    sem_out).wait()

            @pl.when((t + 2 < IDX_T) & relevant(tp2))
            def _():
                start(tp2)

            @pl.when((t < IDX_T) & relevant(tcur))
            def _():
                slot = lax.rem(tcur, 3)
                pltpu.make_async_copy(
                    vals_hbm.at[pl.ds(0, CHUNK)], buf_v.at[slot],
                    sem_in).wait()
                pltpu.async_copy(
                    buf_v.at[slot], acc_sh.at[idx_v.at[tcur]],
                    sem_out, add=True)
            return carry

        lax.fori_loop(0, IDX_T + 1, body, 0)

        plsc.subcore_barrier()
        pltpu.sync_copy(
            acc_sh.at[pl.ds(s * SUB_ROWS, SUB_ROWS)],
            out_hbm.at[pl.ds(c * H + s * SUB_ROWS, SUB_ROWS)])

        @pl.when(s == NS - 1)
        def _():
            pltpu.sync_copy(
                acc_sh.at[pl.ds(NS * SUB_ROWS, TAIL_O)],
                out_hbm.at[pl.ds(c * H + NS * SUB_ROWS, TAIL_O)])

    return k(values, seg_adj)


def _worker_layout(adj):
    pad = jnp.full((IDX_T * NS - NCH, CHUNK), H, jnp.int32)
    arr = jnp.concatenate([adj, pad], axis=0)
    return arr.reshape(IDX_T, NS, CHUNK).transpose(1, 0, 2)


def kernel(values, segment_ids):
    seg2d = segment_ids.astype(jnp.int32).reshape(NCH, CHUNK)
    junk = H + (jnp.arange(CHUNK, dtype=jnp.int32) % NJUNK)[None, :]
    adj0 = jnp.where(seg2d < H, seg2d, junk)
    adj1 = jnp.where(seg2d >= H, seg2d - H, junk)
    seg_adj = jnp.stack([_worker_layout(adj0), _worker_layout(adj1)])
    return _sc_segment_sum(values, seg_adj)

# --- scband reference (transcript-rebuilt; emitter-appended) ---
"""Pipeline reference for scband-sum-structures-65231963292164 (READ-ONLY COPY).

The authoritative reference and input builder live on the scoring server;
editing this copy changes nothing except your own understanding.
"""

import jax, jax.numpy as jnp
import numpy as np

NUM_SEGMENTS = 10000

def setup_inputs(seed: int = 0) -> dict:
    key = jax.random.key(seed)
    k1, k2 = jax.random.split(key)
    values = jax.random.normal(k1, (320000, 128), dtype=jnp.float32)
    segment_ids = jnp.sort(jax.random.randint(k2, (320000,), 0, NUM_SEGMENTS)).astype(jnp.int64)
    return {"values": values, "segment_ids": segment_ids}

def reference(values, segment_ids):
    # Core of SumStructuresAutograd.forward: map each per-sample row to its
    # (dense-remapped) structure id and sum rows within each structure via
    # index_add_ (scatter-add). Since segment_ids are sorted, the dense
    # remap in order of first appearance coincides with the id itself.
    new_values = jnp.zeros((NUM_SEGMENTS, values.shape[1]), dtype=values.dtype)
    new_values = new_values.at[segment_ids].add(values)
    return new_values

if __name__ == "__main__":
    import jax
    _d = setup_inputs()
    print(jax.jit(kernel)(*tuple(_d.values())))

</pallas_src>

<mosaic_0001>
#map = affine_map<(d0, d1) -> (0, 0)>
#map1 = affine_map<(d0, d1) -> (0, 0, 0, 0)>
module attributes {stable_mosaic.version = 14 : i64} {
  func.func @k(%arg0: i32, %arg1: i32, %arg2: memref<320000x128xf32, #tpu.memory_space<hbm>>, %arg3: memref<2x16x160x128xi32, #tpu.memory_space<hbm>>, %arg4: memref<10000x128xf32, #tpu.memory_space<hbm>>, %arg5: memref<160x128xi32, #tpu.memory_space<vmem>>, %arg6: memref<3x128x128xf32, #tpu.memory_space<vmem>>, %arg7: memref<78x128xf32, #tpu.memory_space<vmem>>, %arg8: memref<5008x128xf32, #tpu.memory_space<vmem_shared>>, %arg9: memref<!tpu.dma_semaphore, #tpu.memory_space<semaphore_mem>>, %arg10: memref<!tpu.dma_semaphore, #tpu.memory_space<semaphore_mem>>) attributes {dimension_semantics = [#tpu.dimension_semantics<core_parallel>, #tpu.dimension_semantics<subcore_parallel>], iteration_bounds = array<i64: 2, 16>, scalar_prefetch = 0 : i64, scratch_operands = 6 : i64, tpu.core_type = #tpu.core_type<sc_vector_subcore>, window_params = [{transform_indices = #map}, {transform_indices = #map1}, {transform_indices = #map}]} {
    %scan3A = arith.constant 0 : i32
    %scan3A_0 = arith.constant 0 : i32
    %scan3A_1 = arith.constant 78 : i32
    %scan3A_2 = arith.addi %scan3A_0, %scan3A_1 : i32
    %scan3A_3 = arith.constant 1 : i32
    scf.for %scan3A_73 = %scan3A_0 to %scan3A_2 step %scan3A_3  : i32 {
      %broadcast_in_dim3A = arith.constant 0.000000e+00 : f32
      %broadcast_in_dim3A_74 = vector.broadcast %broadcast_in_dim3A : f32 to vector<16xf32>
      %swap3A = arith.index_cast %scan3A_73 : i32 to index
      %swap3A_75 = arith.constant 0 : index
      %swap3A_76 = tpu.vector_load %arg7[%swap3A, %swap3A_75] {strides = array<i32>} : memref<78x128xf32, #tpu.memory_space<vmem>>, vector<1x16xf32>,
      %swap3A_77 = vector.shape_cast %swap3A_76 : vector<1x16xf32> to vector<16xf32>
      %swap3A_78 = vector.shape_cast %broadcast_in_dim3A_74 : vector<16xf32> to vector<1x16xf32>
      tpu.vector_store %arg7[%swap3A, %swap3A_75], %swap3A_78 {strides = array<i32>} : memref<78x128xf32, #tpu.memory_space<vmem>>, vector<1x16xf32>,
      %broadcast_in_dim3A_79 = arith.constant 0.000000e+00 : f32
      %broadcast_in_dim3A_80 = vector.broadcast %broadcast_in_dim3A_79 : f32 to vector<16xf32>
      %swap3A_81 = arith.index_cast %scan3A_73 : i32 to index
      %swap3A_82 = arith.constant 16 : index
      %swap3A_83 = tpu.vector_load %arg7[%swap3A_81, %swap3A_82] {strides = array<i32>} : memref<78x128xf32, #tpu.memory_space<vmem>>, vector<1x16xf32>,
      %swap3A_84 = vector.shape_cast %swap3A_83 : vector<1x16xf32> to vector<16xf32>
      %swap3A_85 = vector.shape_cast %broadcast_in_dim3A_80 : vector<16xf32> to vector<1x16xf32>
      tpu.vector_store %arg7[%swap3A_81, %swap3A_82], %swap3A_85 {strides = array<i32>} : memref<78x128xf32, #tpu.memory_space<vmem>>, vector<1x16xf32>,
      %broadcast_in_dim3A_86 = arith.constant 0.000000e+00 : f32
      %broadcast_in_dim3A_87 = vector.broadcast %broadcast_in_dim3A_86 : f32 to vector<16xf32>
      %swap3A_88 = arith.index_cast %scan3A_73 : i32 to index
      %swap3A_89 = arith.constant 32 : index
      %swap3A_90 = tpu.vector_load %arg7[%swap3A_88, %swap3A_89] {strides = array<i32>} : memref<78x128xf32, #tpu.memory_space<vmem>>, vector<1x16xf32>,
      %swap3A_91 = vector.shape_cast %swap3A_90 : vector<1x16xf32> to vector<16xf32>
      %swap3A_92 = vector.shape_cast %broadcast_in_dim3A_87 : vector<16xf32> to vector<1x16xf32>
      tpu.vector_store %arg7[%swap3A_88, %swap3A_89], %swap3A_92 {strides = array<i32>} : memref<78x128xf32, #tpu.memory_space<vmem>>, vector<1x16xf32>,
      %broadcast_in_dim3A_93 = arith.constant 0.000000e+00 : f32
      %broadcast_in_dim3A_94 = vector.broadcast %broadcast_in_dim3A_93 : f32 to vector<16xf32>
      %swap3A_95 = arith.index_cast %scan3A_73 : i32 to index
      %swap3A_96 = arith.constant 48 : index
      %swap3A_97 = tpu.vector_load %arg7[%swap3A_95, %swap3A_96] {strides = array<i32>} : memref<78x128xf32, #tpu.memory_space<vmem>>, vector<1x16xf32>,
      %swap3A_98 = vector.shape_cast %swap3A_97 : vector<1x16xf32> to vector<16xf32>
      %swap3A_99 = vector.shape_cast %broadcast_in_dim3A_94 : vector<16xf32> to vector<1x16xf32>
      tpu.vector_store %arg7[%swap3A_95, %swap3A_96], %swap3A_99 {strides = array<i32>} : memref<78x128xf32, #tpu.memory_space<vmem>>, vector<1x16xf32>,
      %broadcast_in_dim3A_100 = arith.constant 0.000000e+00 : f32
      %broadcast_in_dim3A_101 = vector.broadcast %broadcast_in_dim3A_100 : f32 to vector<16xf32>
      %swap3A_102 = arith.index_cast %scan3A_73 : i32 to index
      %swap3A_103 = arith.constant 64 : index
      %swap3A_104 = tpu.vector_load %arg7[%swap3A_102, %swap3A_103] {strides = array<i32>} : memref<78x128xf32, #tpu.memory_space<vmem>>, vector<1x16xf32>,
      %swap3A_105 = vector.shape_cast %swap3A_104 : vector<1x16xf32> to vector<16xf32>
      %swap3A_106 = vector.shape_cast %broadcast_in_dim3A_101 : vector<16xf32> to vector<1x16xf32>
      tpu.vector_store %arg7[%swap3A_102, %swap3A_103], %swap3A_106 {strides = array<i32>} : memref<78x128xf32, #tpu.memory_space<vmem>>, vector<1x16xf32>,
      %broadcast_in_dim3A_107 = arith.constant 0.000000e+00 : f32
      %broadcast_in_dim3A_108 = vector.broadcast %broadcast_in_dim3A_107 : f32 to vector<16xf32>
      %swap3A_109 = arith.index_cast %scan3A_73 : i32 to index
      %swap3A_110 = arith.constant 80 : index
      %swap3A_111 = tpu.vector_load %arg7[%swap3A_109, %swap3A_110] {strides = array<i32>} : memref<78x128xf32, #tpu.memory_space<vmem>>, vector<1x16xf32>,
      %swap3A_112 = vector.shape_cast %swap3A_111 : vector<1x16xf32> to vector<16xf32>
      %swap3A_113 = vector.shape_cast %broadcast_in_dim3A_108 : vector<16xf32> to vector<1x16xf32>
      tpu.vector_store %arg7[%swap3A_109, %swap3A_110], %swap3A_113 {strides = array<i32>} : memref<78x128xf32, #tpu.memory_space<vmem>>, vector<1x16xf32>,
      %broadcast_in_dim3A_114 = arith.constant 0.000000e+00 : f32
      %broadcast_in_dim3A_115 = vector.broadcast %broadcast_in_dim3A_114 : f32 to vector<16xf32>
      %swap3A_116 = arith.index_cast %scan3A_73 : i32 to index
      %swap3A_117 = arith.constant 96 : index
      %swap3A_118 = tpu.vector_load %arg7[%swap3A_116, %swap3A_117] {strides = array<i32>} : memref<78x128xf32, #tpu.memory_space<vmem>>, vector<1x16xf32>,
      %swap3A_119 = vector.shape_cast %swap3A_118 : vector<1x16xf32> to vector<16xf32>
      %swap3A_120 = vector.shape_cast %broadcast_in_dim3A_115 : vector<16xf32> to vector<1x16xf32>
      tpu.vector_store %arg7[%swap3A_116, %swap3A_117], %swap3A_120 {strides = array<i32>} : memref<78x128xf32, #tpu.memory_space<vmem>>, vector<1x16xf32>,
      %broadcast_in_dim3A_121 = arith.constant 0.000000e+00 : f32
      %broadcast_in_dim3A_122 = vector.broadcast %broadcast_in_dim3A_121 : f32 to vector<16xf32>
      %swap3A_123 = arith.index_cast %scan3A_73 : i32 to index
      %swap3A_124 = arith.constant 112 : index
      %swap3A_125 = tpu.vector_load %arg7[%swap3A_123, %swap3A_124] {strides = array<i32>} : memref<78x128xf32, #tpu.memory_space<vmem>>, vector<1x16xf32>,
      %swap3A_126 = vector.shape_cast %swap3A_125 : vector<1x16xf32> to vector<16xf32>
      %swap3A_127 = vector.shape_cast %broadcast_in_dim3A_122 : vector<16xf32> to vector<1x16xf32>
      tpu.vector_store %arg7[%swap3A_123, %swap3A_124], %swap3A_127 {strides = array<i32>} : memref<78x128xf32, #tpu.memory_space<vmem>>, vector<1x16xf32>,
    }
    %scan3A_4 = arith.constant 78 : i32
    %mul3A = arith.constant 312 : i32
    %mul3A_5 = arith.muli %arg1, %mul3A : i32
    %add3A = arith.constant 0 : i32
    %add3A_6 = arith.addi %mul3A_5, %add3A : i32
    "tpu.region"() ({
      %run_scoped3A = tpu.sem_alloc : memref<!tpu.dma_semaphore, #tpu.memory_space<semaphore_mem>>
      %dma_start3A = arith.constant 0 : i32
      %dma_start3A_73 = tpu.memref_slice %arg8[%add3A_6, %dma_start3A] : memref<5008x128xf32, #tpu.memory_space<vmem_shared>> -> memref<78x128xf32, #tpu.memory_space<vmem_shared>>
      %dma_start3A_74 = arith.constant 0 : i32
      %dma_start3A_75 = tpu.memref_slice %arg8[%add3A_6, %dma_start3A_74] : memref<5008x128xf32, #tpu.memory_space<vmem_shared>> -> memref<78x128xf32, #tpu.memory_space<vmem_shared>>
      tpu.enqueue_dma source(%arg7 : memref<78x128xf32, #tpu.memory_space<vmem>>) target(%dma_start3A_75 : memref<78x128xf32, #tpu.memory_space<vmem_shared>>) target_semaphore(%run_scoped3A : memref<!tpu.dma_semaphore, #tpu.memory_space<semaphore_mem>>)
      %dma_wait3A = arith.constant 0 : i32
      %dma_wait3A_76 = tpu.memref_slice %arg8[%add3A_6, %dma_wait3A] : memref<5008x128xf32, #tpu.memory_space<vmem_shared>> -> memref<78x128xf32, #tpu.memory_space<vmem_shared>>
      %dma_wait3A_77 = arith.constant 0 : i32
      %dma_wait3A_78 = tpu.memref_slice %arg8[%add3A_6, %dma_wait3A_77] : memref<5008x128xf32, #tpu.memory_space<vmem_shared>> -> memref<78x128xf32, #tpu.memory_space<vmem_shared>>
      tpu.wait_dma2 semaphore(%run_scoped3A : memref<!tpu.dma_semaphore, #tpu.memory_space<semaphore_mem>>) src(%arg7 : memref<78x128xf32, #tpu.memory_space<vmem>>) dst(%dma_wait3A_78 : memref<78x128xf32, #tpu.memory_space<vmem_shared>>)
      tpu.yield
    }) : () -> ()
    %mul3A_7 = arith.constant 312 : i32
    %mul3A_8 = arith.muli %arg1, %mul3A_7 : i32
    %add3A_9 = arith.constant 78 : i32
    %add3A_10 = arith.addi %mul3A_8, %add3A_9 : i32
    "tpu.region"() ({
      %run_scoped3A = tpu.sem_alloc : memref<!tpu.dma_semaphore, #tpu.memory_space<semaphore_mem>>
      %dma_start3A = arith.constant 0 : i32
      %dma_start3A_73 = tpu.memref_slice %arg8[%add3A_10, %dma_start3A] : memref<5008x128xf32, #tpu.memory_space<vmem_shared>> -> memref<78x128xf32, #tpu.memory_space<vmem_shared>>
      %dma_start3A_74 = arith.constant 0 : i32
      %dma_start3A_75 = tpu.memref_slice %arg8[%add3A_10, %dma_start3A_74] : memref<5008x128xf32, #tpu.memory_space<vmem_shared>> -> memref<78x128xf32, #tpu.memory_space<vmem_shared>>
      tpu.enqueue_dma source(%arg7 : memref<78x128xf32, #tpu.memory_space<vmem>>) target(%dma_start3A_75 : memref<78x128xf32, #tpu.memory_space<vmem_shared>>) target_semaphore(%run_scoped3A : memref<!tpu.dma_semaphore, #tpu.memory_space<semaphore_mem>>)
      %dma_wait3A = arith.constant 0 : i32
      %dma_wait3A_76 = tpu.memref_slice %arg8[%add3A_10, %dma_wait3A] : memref<5008x128xf32, #tpu.memory_space<vmem_shared>> -> memref<78x128xf32, #tpu.memory_space<vmem_shared>>
      %dma_wait3A_77 = arith.constant 0 : i32
      %dma_wait3A_78 = tpu.memref_slice %arg8[%add3A_10, %dma_wait3A_77] : memref<5008x128xf32, #tpu.memory_space<vmem_shared>> -> memref<78x128xf32, #tpu.memory_space<vmem_shared>>
      tpu.wait_dma2 semaphore(%run_scoped3A : memref<!tpu.dma_semaphore, #tpu.memory_space<semaphore_mem>>) src(%arg7 : memref<78x128xf32, #tpu.memory_space<vmem>>) dst(%dma_wait3A_78 : memref<78x128xf32, #tpu.memory_space<vmem_shared>>)
      tpu.yield
    }) : () -> ()
    %mul3A_11 = arith.constant 312 : i32
    %mul3A_12 = arith.muli %arg1, %mul3A_11 : i32
    %add3A_13 = arith.constant 156 : i32
    %add3A_14 = arith.addi %mul3A_12, %add3A_13 : i32
    "tpu.region"() ({
      %run_scoped3A = tpu.sem_alloc : memref<!tpu.dma_semaphore, #tpu.memory_space<semaphore_mem>>
      %dma_start3A = arith.constant 0 : i32
      %dma_start3A_73 = tpu.memref_slice %arg8[%add3A_14, %dma_start3A] : memref<5008x128xf32, #tpu.memory_space<vmem_shared>> -> memref<78x128xf32, #tpu.memory_space<vmem_shared>>
      %dma_start3A_74 = arith.constant 0 : i32
      %dma_start3A_75 = tpu.memref_slice %arg8[%add3A_14, %dma_start3A_74] : memref<5008x128xf32, #tpu.memory_space<vmem_shared>> -> memref<78x128xf32, #tpu.memory_space<vmem_shared>>
      tpu.enqueue_dma source(%arg7 : memref<78x128xf32, #tpu.memory_space<vmem>>) target(%dma_start3A_75 : memref<78x128xf32, #tpu.memory_space<vmem_shared>>) target_semaphore(%run_scoped3A : memref<!tpu.dma_semaphore, #tpu.memory_space<semaphore_mem>>)
      %dma_wait3A = arith.constant 0 : i32
      %dma_wait3A_76 = tpu.memref_slice %arg8[%add3A_14, %dma_wait3A] : memref<5008x128xf32, #tpu.memory_space<vmem_shared>> -> memref<78x128xf32, #tpu.memory_space<vmem_shared>>
      %dma_wait3A_77 = arith.constant 0 : i32
      %dma_wait3A_78 = tpu.memref_slice %arg8[%add3A_14, %dma_wait3A_77] : memref<5008x128xf32, #tpu.memory_space<vmem_shared>> -> memref<78x128xf32, #tpu.memory_space<vmem_shared>>
      tpu.wait_dma2 semaphore(%run_scoped3A : memref<!tpu.dma_semaphore, #tpu.memory_space<semaphore_mem>>) src(%arg7 : memref<78x128xf32, #tpu.memory_space<vmem>>) dst(%dma_wait3A_78 : memref<78x128xf32, #tpu.memory_space<vmem_shared>>)
      tpu.yield
    }) : () -> ()
    %mul3A_15 = arith.constant 312 : i32
    %mul3A_16 = arith.muli %arg1, %mul3A_15 : i32
    %add3A_17 = arith.constant 234 : i32
    %add3A_18 = arith.addi %mul3A_16, %add3A_17 : i32
    "tpu.region"() ({
      %run_scoped3A = tpu.sem_alloc : memref<!tpu.dma_semaphore, #tpu.memory_space<semaphore_mem>>
      %dma_start3A = arith.constant 0 : i32
      %dma_start3A_73 = tpu.memref_slice %arg8[%add3A_18, %dma_start3A] : memref<5008x128xf32, #tpu.memory_space<vmem_shared>> -> memref<78x128xf32, #tpu.memory_space<vmem_shared>>
      %dma_start3A_74 = arith.constant 0 : i32
      %dma_start3A_75 = tpu.memref_slice %arg8[%add3A_18, %dma_start3A_74] : memref<5008x128xf32, #tpu.memory_space<vmem_shared>> -> memref<78x128xf32, #tpu.memory_space<vmem_shared>>
      tpu.enqueue_dma source(%arg7 : memref<78x128xf32, #tpu.memory_space<vmem>>) target(%dma_start3A_75 : memref<78x128xf32, #tpu.memory_space<vmem_shared>>) target_semaphore(%run_scoped3A : memref<!tpu.dma_semaphore, #tpu.memory_space<semaphore_mem>>)
      %dma_wait3A = arith.constant 0 : i32
      %dma_wait3A_76 = tpu.memref_slice %arg8[%add3A_18, %dma_wait3A] : memref<5008x128xf32, #tpu.memory_space<vmem_shared>> -> memref<78x128xf32, #tpu.memory_space<vmem_shared>>
      %dma_wait3A_77 = arith.constant 0 : i32
      %dma_wait3A_78 = tpu.memref_slice %arg8[%add3A_18, %dma_wait3A_77] : memref<5008x128xf32, #tpu.memory_space<vmem_shared>> -> memref<78x128xf32, #tpu.memory_space<vmem_shared>>
      tpu.wait_dma2 semaphore(%run_scoped3A : memref<!tpu.dma_semaphore, #tpu.memory_space<semaphore_mem>>) src(%arg7 : memref<78x128xf32, #tpu.memory_space<vmem>>) dst(%dma_wait3A_78 : memref<78x128xf32, #tpu.memory_space<vmem_shared>>)
      tpu.yield
    }) : () -> ()
    %eq3A = arith.constant 15 : i32
    %eq3A_19 = arith.cmpi eq, %arg1, %eq3A : i32
    %convert_element_type3A = arith.extui %eq3A_19 : i1 to i32
    %cond3A = arith.constant 0 : i32
    %cond3A_20 = arith.cmpi ne, %convert_element_type3A, %cond3A : i32
    scf.if %cond3A_20 {
      "tpu.region"() ({
        %run_scoped3A = tpu.sem_alloc : memref<!tpu.dma_semaphore, #tpu.memory_space<semaphore_mem>>
        %dma_start3A = arith.constant 0 : i32
        %dma_start3A_73 = arith.constant 0 : i32
        %dma_start3A_74 = tpu.memref_slice %arg7[%dma_start3A, %dma_start3A_73] : memref<78x128xf32, #tpu.memory_space<vmem>> -> memref<16x128xf32, #tpu.memory_space<vmem>>
        %dma_start3A_75 = arith.constant 4992 : i32
        %dma_start3A_76 = arith.constant 0 : i32
        %dma_start3A_77 = tpu.memref_slice %arg8[%dma_start3A_75, %dma_start3A_76] : memref<5008x128xf32, #tpu.memory_space<vmem_shared>> -> memref<16x128xf32, #tpu.memory_space<vmem_shared>>
        %dma_start3A_78 = arith.constant 4992 : i32
        %dma_start3A_79 = arith.constant 0 : i32
        %dma_start3A_80 = tpu.memref_slice %arg8[%dma_start3A_78, %dma_start3A_79] : memref<5008x128xf32, #tpu.memory_space<vmem_shared>> -> memref<16x128xf32, #tpu.memory_space<vmem_shared>>
        %dma_start3A_81 = arith.constant 0 : i32
        %dma_start3A_82 = arith.constant 0 : i32
        %dma_start3A_83 = tpu.memref_slice %arg7[%dma_start3A_81, %dma_start3A_82] : memref<78x128xf32, #tpu.memory_space<vmem>> -> memref<16x128xf32, #tpu.memory_space<vmem>>
        tpu.enqueue_dma source(%dma_start3A_83 : memref<16x128xf32, #tpu.memory_space<vmem>>) target(%dma_start3A_80 : memref<16x128xf32, #tpu.memory_space<vmem_shared>>) target_semaphore(%run_scoped3A : memref<!tpu.dma_semaphore, #tpu.memory_space<semaphore_mem>>)
        %dma_wait3A = arith.constant 0 : i32
        %dma_wait3A_84 = arith.constant 0 : i32
        %dma_wait3A_85 = tpu.memref_slice %arg7[%dma_wait3A, %dma_wait3A_84] : memref<78x128xf32, #tpu.memory_space<vmem>> -> memref<16x128xf32, #tpu.memory_space<vmem>>
        %dma_wait3A_86 = arith.constant 4992 : i32
        %dma_wait3A_87 = arith.constant 0 : i32
        %dma_wait3A_88 = tpu.memref_slice %arg8[%dma_wait3A_86, %dma_wait3A_87] : memref<5008x128xf32, #tpu.memory_space<vmem_shared>> -> memref<16x128xf32, #tpu.memory_space<vmem_shared>>
        %dma_wait3A_89 = arith.constant 4992 : i32
        %dma_wait3A_90 = arith.constant 0 : i32
        %dma_wait3A_91 = tpu.memref_slice %arg8[%dma_wait3A_89, %dma_wait3A_90] : memref<5008x128xf32, #tpu.memory_space<vmem_shared>> -> memref<16x128xf32, #tpu.memory_space<vmem_shared>>
        %dma_wait3A_92 = arith.constant 0 : i32
        %dma_wait3A_93 = arith.constant 0 : i32
        %dma_wait3A_94 = tpu.memref_slice %arg7[%dma_wait3A_92, %dma_wait3A_93] : memref<78x128xf32, #tpu.memory_space<vmem>> -> memref<16x128xf32, #tpu.memory_space<vmem>>
        tpu.wait_dma2 semaphore(%run_scoped3A : memref<!tpu.dma_semaphore, #tpu.memory_space<semaphore_mem>>) src(%dma_wait3A_94 : memref<16x128xf32, #tpu.memory_space<vmem>>) dst(%dma_wait3A_91 : memref<16x128xf32, #tpu.memory_space<vmem_shared>>)
        tpu.yield
      }) : () -> ()
    } else {
    }
    "tpu.region"() ({
      %run_scoped3A = tpu.sem_alloc : memref<!tpu.dma_semaphore, #tpu.memory_space<semaphore_mem>>
      %dma_start3A = arith.constant 0 : i32
      %dma_start3A_73 = arith.constant 0 : i32
      %dma_start3A_74 = tpu.memref_slice %arg3[%arg0, %arg1, %dma_start3A, %dma_start3A_73] : memref<2x16x160x128xi32, #tpu.memory_space<hbm>> -> memref<1x1x160x128xi32, #tpu.memory_space<hbm>>
      %dma_start3A_75 = tpu.memref_squeeze %dma_start3A_74 : memref<1x1x160x128xi32, #tpu.memory_space<hbm>> -> memref<160x128xi32, #tpu.memory_space<hbm>>
      %dma_start3A_76 = arith.constant 0 : i32
      %dma_start3A_77 = arith.constant 0 : i32
      %dma_start3A_78 = tpu.memref_slice %arg3[%arg0, %arg1, %dma_start3A_76, %dma_start3A_77] : memref<2x16x160x128xi32, #tpu.memory_space<hbm>> -> memref<1x1x160x128xi32, #tpu.memory_space<hbm>>
      %dma_start3A_79 = tpu.memref_squeeze %dma_start3A_78 : memref<1x1x160x128xi32, #tpu.memory_space<hbm>> -> memref<160x128xi32, #tpu.memory_space<hbm>>
      tpu.enqueue_dma source(%dma_start3A_79 : memref<160x128xi32, #tpu.memory_space<hbm>>) target(%arg5 : memref<160x128xi32, #tpu.memory_space<vmem>>) target_semaphore(%run_scoped3A : memref<!tpu.dma_semaphore, #tpu.memory_space<semaphore_mem>>)
      %dma_wait3A = arith.constant 0 : i32
      %dma_wait3A_80 = arith.constant 0 : i32
      %dma_wait3A_81 = tpu.memref_slice %arg3[%arg0, %arg1, %dma_wait3A, %dma_wait3A_80] : memref<2x16x160x128xi32, #tpu.memory_space<hbm>> -> memref<1x1x160x128xi32, #tpu.memory_space<hbm>>
      %dma_wait3A_82 = tpu.memref_squeeze %dma_wait3A_81 : memref<1x1x160x128xi32, #tpu.memory_space<hbm>> -> memref<160x128xi32, #tpu.memory_space<hbm>>
      %dma_wait3A_83 = arith.constant 0 : i32
      %dma_wait3A_84 = arith.constant 0 : i32
      %dma_wait3A_85 = tpu.memref_slice %arg3[%arg0, %arg1, %dma_wait3A_83, %dma_wait3A_84] : memref<2x16x160x128xi32, #tpu.memory_space<hbm>> -> memref<1x1x160x128xi32, #tpu.memory_space<hbm>>
      %dma_wait3A_86 = tpu.memref_squeeze %dma_wait3A_85 : memref<1x1x160x128xi32, #tpu.memory_space<hbm>> -> memref<160x128xi32, #tpu.memory_space<hbm>>
      tpu.wait_dma2 semaphore(%run_scoped3A : memref<!tpu.dma_semaphore, #tpu.memory_space<semaphore_mem>>) src(%dma_wait3A_86 : memref<160x128xi32, #tpu.memory_space<hbm>>) dst(%arg5 : memref<160x128xi32, #tpu.memory_space<vmem>>)
      tpu.yield
    }) : () -> ()
    %barrier3A = arith.constant 0 : index
    tpu.barrier barrier_id(%barrier3A)
    %mul3A_21 = arith.constant 112 : i32
    %mul3A_22 = arith.muli %arg0, %mul3A_21 : i32
    %get3A = arith.constant 0 : i32
    %get3A_23 = arith.index_cast %get3A : i32 to index
    %get3A_24 = arith.index_cast %mul3A_22 : i32 to index
    %get3A_25 = tpu.vector_load %arg5[%get3A_23, %get3A_24] {strides = array<i32>} : memref<160x128xi32, #tpu.memory_space<vmem>>, vector<1x16xi32>,
    %get3A_26 = vector.shape_cast %get3A_25 : vector<1x16xi32> to vector<16xi32>
    %eq3A_27 = arith.constant 0 : i32
    %eq3A_28 = arith.cmpi eq, %arg0, %eq3A_27 : i32
    %slice3A = vector.extract_strided_slice %get3A_26 {offsets = [0], sizes = [1], strides = [1]} : vector<16xi32> to vector<1xi32>
    %squeeze3A = vector.extract %slice3A[0] : i32 from vector<1xi32>
    %slice3A_29 = vector.extract_strided_slice %get3A_26 {offsets = [15], sizes = [1], strides = [1]} : vector<16xi32> to vector<1xi32>
    %squeeze3A_30 = vector.extract %slice3A_29[0] : i32 from vector<1xi32>
    %select_n3A = arith.select %eq3A_28, %squeeze3A, %squeeze3A_30 : i32
    %lt3A = arith.constant 5000 : i32
    %lt3A_31 = arith.cmpi slt, %select_n3A, %lt3A : i32
    %convert_element_type3A_32 = arith.extui %lt3A_31 : i1 to i32
    %cond3A_33 = arith.constant 0 : i32
    %cond3A_34 = arith.cmpi ne, %convert_element_type3A_32, %cond3A_33 : i32
    scf.if %cond3A_34 {
      %add3A_73 = arith.constant 0 : i32
      %add3A_74 = arith.addi %add3A_73, %arg1 : i32
      %mul3A_75 = arith.constant 128 : i32
      %mul3A_76 = arith.muli %add3A_74, %mul3A_75 : i32
      %rem3A = arith.constant 0 : i32
      %rem3A_77 = arith.constant 3 : i32
      %rem3A_78 = arith.remsi %rem3A, %rem3A_77 : i32
      %dma_start3A = arith.constant 0 : i32
      %dma_start3A_79 = arith.constant 0 : i32
      %dma_start3A_80 = tpu.memref_slice %arg6[%rem3A_78, %dma_start3A, %dma_start3A_79] : memref<3x128x128xf32, #tpu.memory_space<vmem>> -> memref<1x128x128xf32, #tpu.memory_space<vmem>>
      %dma_start3A_81 = tpu.memref_squeeze %dma_start3A_80 : memref<1x128x128xf32, #tpu.memory_space<vmem>> -> memref<128x128xf32, #tpu.memory_space<vmem>>
      %dma_start3A_82 = arith.constant 0 : i32
      %dma_start3A_83 = tpu.memref_slice %arg2[%mul3A_76, %dma_start3A_82] : memref<320000x128xf32, #tpu.memory_space<hbm>> -> memref<128x128xf32, #tpu.memory_space<hbm>>
      %dma_start3A_84 = arith.constant 0 : i32
      %dma_start3A_85 = arith.constant 0 : i32
      %dma_start3A_86 = tpu.memref_slice %arg6[%rem3A_78, %dma_start3A_84, %dma_start3A_85] : memref<3x128x128xf32, #tpu.memory_space<vmem>> -> memref<1x128x128xf32, #tpu.memory_space<vmem>>
      %dma_start3A_87 = tpu.memref_squeeze %dma_start3A_86 : memref<1x128x128xf32, #tpu.memory_space<vmem>> -> memref<128x128xf32, #tpu.memory_space<vmem>>
      %dma_start3A_88 = arith.constant 0 : i32
      %dma_start3A_89 = tpu.memref_slice %arg2[%mul3A_76, %dma_start3A_88] : memref<320000x128xf32, #tpu.memory_space<hbm>> -> memref<128x128xf32, #tpu.memory_space<hbm>>
      tpu.enqueue_dma source(%dma_start3A_89 : memref<128x128xf32, #tpu.memory_space<hbm>>) target(%dma_start3A_87 : memref<128x128xf32, #tpu.memory_space<vmem>>) target_semaphore(%arg9 : memref<!tpu.dma_semaphore, #tpu.memory_space<semaphore_mem>>)
    } else {
    }
    %mul3A_35 = arith.constant 112 : i32
    %mul3A_36 = arith.muli %arg0, %mul3A_35 : i32
    %get3A_37 = arith.constant 1 : i32
    %get3A_38 = arith.index_cast %get3A_37 : i32 to index
    %get3A_39 = arith.index_cast %mul3A_36 : i32 to index
    %get3A_40 = tpu.vector_load %arg5[%get3A_38, %get3A_39] {strides = array<i32>} : memref<160x128xi32, #tpu.memory_space<vmem>>, vector<1x16xi32>,
    %get3A_41 = vector.shape_cast %get3A_40 : vector<1x16xi32> to vector<16xi32>
    %eq3A_42 = arith.constant 0 : i32
    %eq3A_43 = arith.cmpi eq, %arg0, %eq3A_42 : i32
    %slice3A_44 = vector.extract_strided_slice %get3A_41 {offsets = [0], sizes = [1], strides = [1]} : vector<16xi32> to vector<1xi32>
    %squeeze3A_45 = vector.extract %slice3A_44[0] : i32 from vector<1xi32>
    %slice3A_46 = vector.extract_strided_slice %get3A_41 {offsets = [15], sizes = [1], strides = [1]} : vector<16xi32> to vector<1xi32>
    %squeeze3A_47 = vector.extract %slice3A_46[0] : i32 from vector<1xi32>
    %select_n3A_48 = arith.select %eq3A_43, %squeeze3A_45, %squeeze3A_47 : i32
    %lt3A_49 = arith.constant 5000 : i32
    %lt3A_50 = arith.cmpi slt, %select_n3A_48, %lt3A_49 : i32
    %convert_element_type3A_51 = arith.extui %lt3A_50 : i1 to i32
    %cond3A_52 = arith.constant 0 : i32
    %cond3A_53 = arith.cmpi ne, %convert_element_type3A_51, %cond3A_52 : i32
    scf.if %cond3A_53 {
      %add3A_73 = arith.constant 16 : i32
      %add3A_74 = arith.addi %add3A_73, %arg1 : i32
      %mul3A_75 = arith.constant 128 : i32
      %mul3A_76 = arith.muli %add3A_74, %mul3A_75 : i32
      %rem3A = arith.constant 1 : i32
      %rem3A_77 = arith.constant 3 : i32
      %rem3A_78 = arith.remsi %rem3A, %rem3A_77 : i32
      %dma_start3A = arith.constant 0 : i32
      %dma_start3A_79 = arith.constant 0 : i32
      %dma_start3A_80 = tpu.memref_slice %arg6[%rem3A_78, %dma_start3A, %dma_start3A_79] : memref<3x128x128xf32, #tpu.memory_space<vmem>> -> memref<1x128x128xf32, #tpu.memory_space<vmem>>
      %dma_start3A_81 = tpu.memref_squeeze %dma_start3A_80 : memref<1x128x128xf32, #tpu.memory_space<vmem>> -> memref<128x128xf32, #tpu.memory_space<vmem>>
      %dma_start3A_82 = arith.constant 0 : i32
      %dma_start3A_83 = tpu.memref_slice %arg2[%mul3A_76, %dma_start3A_82] : memref<320000x128xf32, #tpu.memory_space<hbm>> -> memref<128x128xf32, #tpu.memory_space<hbm>>
      %dma_start3A_84 = arith.constant 0 : i32
      %dma_start3A_85 = arith.constant 0 : i32
      %dma_start3A_86 = tpu.memref_slice %arg6[%rem3A_78, %dma_start3A_84, %dma_start3A_85] : memref<3x128x128xf32, #tpu.memory_space<vmem>> -> memref<1x128x128xf32, #tpu.memory_space<vmem>>
      %dma_start3A_87 = tpu.memref_squeeze %dma_start3A_86 : memref<1x128x128xf32, #tpu.memory_space<vmem>> -> memref<128x128xf32, #tpu.memory_space<vmem>>
      %dma_start3A_88 = arith.constant 0 : i32
      %dma_start3A_89 = tpu.memref_slice %arg2[%mul3A_76, %dma_start3A_88] : memref<320000x128xf32, #tpu.memory_space<hbm>> -> memref<128x128xf32, #tpu.memory_space<hbm>>
      tpu.enqueue_dma source(%dma_start3A_89 : memref<128x128xf32, #tpu.memory_space<hbm>>) target(%dma_start3A_87 : memref<128x128xf32, #tpu.memory_space<vmem>>) target_semaphore(%arg9 : memref<!tpu.dma_semaphore, #tpu.memory_space<semaphore_mem>>)
    } else {
    }
    %scan3A_54 = arith.constant 0 : i32
    %scan3A_55 = arith.constant 0 : i32
    %scan3A_56 = arith.constant 161 : i32
    %scan3A_57 = arith.addi %scan3A_55, %scan3A_56 : i32
    %scan3A_58 = arith.constant 1 : i32
    scf.for %scan3A_73 = %scan3A_55 to %scan3A_57 step %scan3A_58  : i32 {
      %sub3A = arith.constant 1 : i32
      %sub3A_74 = arith.subi %scan3A_73, %sub3A : i32
      %max3A = arith.constant 0 : i32
      %max3A_75 = arith.maxsi %sub3A_74, %max3A : i32
      %min3A = arith.constant 159 : i32
      %min3A_76 = arith.minsi %scan3A_73, %min3A : i32
      %add3A_77 = arith.constant 2 : i32
      %add3A_78 = arith.addi %scan3A_73, %add3A_77 : i32
      %min3A_79 = arith.constant 159 : i32
      %min3A_80 = arith.minsi %add3A_78, %min3A_79 : i32
      %ge3A = arith.constant 1 : i32
      %ge3A_81 = arith.cmpi sge, %scan3A_73, %ge3A : i32
      %mul3A_82 = arith.constant 112 : i32
      %mul3A_83 = arith.muli %arg0, %mul3A_82 : i32
      %get3A_84 = arith.index_cast %max3A_75 : i32 to index
      %get3A_85 = arith.index_cast %mul3A_83 : i32 to index
      %get3A_86 = tpu.vector_load %arg5[%get3A_84, %get3A_85] {strides = array<i32>} : memref<160x128xi32, #tpu.memory_space<vmem>>, vector<1x16xi32>,
      %get3A_87 = vector.shape_cast %get3A_86 : vector<1x16xi32> to vector<16xi32>
      %eq3A_88 = arith.constant 0 : i32
      %eq3A_89 = arith.cmpi eq, %arg0, %eq3A_88 : i32
      %slice3A_90 = vector.extract_strided_slice %get3A_87 {offsets = [0], sizes = [1], strides = [1]} : vector<16xi32> to vector<1xi32>
      %squeeze3A_91 = vector.extract %slice3A_90[0] : i32 from vector<1xi32>
      %slice3A_92 = vector.extract_strided_slice %get3A_87 {offsets = [15], sizes = [1], strides = [1]} : vector<16xi32> to vector<1xi32>
      %squeeze3A_93 = vector.extract %slice3A_92[0] : i32 from vector<1xi32>
      %select_n3A_94 = arith.select %eq3A_89, %squeeze3A_91, %squeeze3A_93 : i32
      %lt3A_95 = arith.constant 5000 : i32
      %lt3A_96 = arith.cmpi slt, %select_n3A_94, %lt3A_95 : i32
      %and3A = arith.andi %ge3A_81, %lt3A_96 : i1
      %convert_element_type3A_97 = arith.extui %and3A : i1 to i32
      %cond3A_98 = arith.constant 0 : i32
      %cond3A_99 = arith.cmpi ne, %convert_element_type3A_97, %cond3A_98 : i32
      scf.if %cond3A_99 {
        %rem3A = arith.constant 3 : i32
        %rem3A_144 = arith.remsi %max3A_75, %rem3A : i32
        %dma_wait3A = arith.constant 0 : i32
        %dma_wait3A_145 = arith.constant 0 : i32
        %dma_wait3A_146 = tpu.memref_slice %arg6[%rem3A_144, %dma_wait3A, %dma_wait3A_145] : memref<3x128x128xf32, #tpu.memory_space<vmem>> -> memref<1x128x128xf32, #tpu.memory_space<vmem>>
        %dma_wait3A_147 = tpu.memref_squeeze %dma_wait3A_146 : memref<1x128x128xf32, #tpu.memory_space<vmem>> -> memref<128x128xf32, #tpu.memory_space<vmem>>
        %dma_wait3A_148 = arith.constant 0 : i32
        %dma_wait3A_149 = tpu.memref_slice %arg5[%max3A_75, %dma_wait3A_148] : memref<160x128xi32, #tpu.memory_space<vmem>> -> memref<1x128xi32, #tpu.memory_space<vmem>>
        %dma_wait3A_150 = tpu.memref_squeeze %dma_wait3A_149 : memref<1x128xi32, #tpu.memory_space<vmem>> -> memref<128xi32, #tpu.memory_space<vmem>>
        %dma_wait3A_151 = arith.constant 0 : i32
        %dma_wait3A_152 = arith.constant 0 : i32
        %dma_wait3A_153 = tpu.memref_slice %arg8[%dma_wait3A_151, %dma_wait3A_152] : memref<5008x128xf32, #tpu.memory_space<vmem_shared>> -> memref<5008x128xf32, #tpu.memory_space<vmem_shared>>
        tpu.wait_indirect_dma semaphore(%arg10 : memref<!tpu.dma_semaphore, #tpu.memory_space<semaphore_mem>>) src(%dma_wait3A_147 : memref<128x128xf32, #tpu.memory_space<vmem>>) dst(%dma_wait3A_153 : memref<5008x128xf32, #tpu.memory_space<vmem_shared>>)
      } else {
      }
      %add3A_100 = arith.constant 2 : i32
      %add3A_101 = arith.addi %scan3A_73, %add3A_100 : i32
      %lt3A_102 = arith.constant 160 : i32
      %lt3A_103 = arith.cmpi slt, %add3A_101, %lt3A_102 : i32
      %mul3A_104 = arith.constant 112 : i32
      %mul3A_105 = arith.muli %arg0, %mul3A_104 : i32
      %get3A_106 = arith.index_cast %min3A_80 : i32 to index
      %get3A_107 = arith.index_cast %mul3A_105 : i32 to index
      %get3A_108 = tpu.vector_load %arg5[%get3A_106, %get3A_107] {strides = array<i32>} : memref<160x128xi32, #tpu.memory_space<vmem>>, vector<1x16xi32>,
      %get3A_109 = vector.shape_cast %get3A_108 : vector<1x16xi32> to vector<16xi32>
      %eq3A_110 = arith.constant 0 : i32
      %eq3A_111 = arith.cmpi eq, %arg0, %eq3A_110 : i32
      %slice3A_112 = vector.extract_strided_slice %get3A_109 {offsets = [0], sizes = [1], strides = [1]} : vector<16xi32> to vector<1xi32>
      %squeeze3A_113 = vector.extract %slice3A_112[0] : i32 from vector<1xi32>
      %slice3A_114 = vector.extract_strided_slice %get3A_109 {offsets = [15], sizes = [1], strides = [1]} : vector<16xi32> to vector<1xi32>
      %squeeze3A_115 = vector.extract %slice3A_114[0] : i32 from vector<1xi32>
      %select_n3A_116 = arith.select %eq3A_111, %squeeze3A_113, %squeeze3A_115 : i32
      %lt3A_117 = arith.constant 5000 : i32
      %lt3A_118 = arith.cmpi slt, %select_n3A_116, %lt3A_117 : i32
      %and3A_119 = arith.andi %lt3A_103, %lt3A_118 : i1
      %convert_element_type3A_120 = arith.extui %and3A_119 : i1 to i32
      %cond3A_121 = arith.constant 0 : i32
      %cond3A_122 = arith.cmpi ne, %convert_element_type3A_120, %cond3A_121 : i32
      scf.if %cond3A_122 {
        %mul3A_144 = arith.constant 16 : i32
        %mul3A_145 = arith.muli %min3A_80, %mul3A_144 : i32
        %add3A_146 = arith.addi %mul3A_145, %arg1 : i32
        %mul3A_147 = arith.constant 128 : i32
        %mul3A_148 = arith.muli %add3A_146, %mul3A_147 : i32
        %rem3A = arith.constant 3 : i32
        %rem3A_149 = arith.remsi %min3A_80, %rem3A : i32
        %dma_start3A = arith.constant 0 : i32
        %dma_start3A_150 = arith.constant 0 : i32
        %dma_start3A_151 = tpu.memref_slice %arg6[%rem3A_149, %dma_start3A, %dma_start3A_150] : memref<3x128x128xf32, #tpu.memory_space<vmem>> -> memref<1x128x128xf32, #tpu.memory_space<vmem>>
        %dma_start3A_152 = tpu.memref_squeeze %dma_start3A_151 : memref<1x128x128xf32, #tpu.memory_space<vmem>> -> memref<128x128xf32, #tpu.memory_space<vmem>>
        %dma_start3A_153 = arith.constant 0 : i32
        %dma_start3A_154 = tpu.memref_slice %arg2[%mul3A_148, %dma_start3A_153] : memref<320000x128xf32, #tpu.memory_space<hbm>> -> memref<128x128xf32, #tpu.memory_space<hbm>>
        %dma_start3A_155 = arith.constant 0 : i32
        %dma_start3A_156 = arith.constant 0 : i32
        %dma_start3A_157 = tpu.memref_slice %arg6[%rem3A_149, %dma_start3A_155, %dma_start3A_156] : memref<3x128x128xf32, #tpu.memory_space<vmem>> -> memref<1x128x128xf32, #tpu.memory_space<vmem>>
        %dma_start3A_158 = tpu.memref_squeeze %dma_start3A_157 : memref<1x128x128xf32, #tpu.memory_space<vmem>> -> memref<128x128xf32, #tpu.memory_space<vmem>>
        %dma_start3A_159 = arith.constant 0 : i32
        %dma_start3A_160 = tpu.memref_slice %arg2[%mul3A_148, %dma_start3A_159] : memref<320000x128xf32, #tpu.memory_space<hbm>> -> memref<128x128xf32, #tpu.memory_space<hbm>>
        tpu.enqueue_dma source(%dma_start3A_160 : memref<128x128xf32, #tpu.memory_space<hbm>>) target(%dma_start3A_158 : memref<128x128xf32, #tpu.memory_space<vmem>>) target_semaphore(%arg9 : memref<!tpu.dma_semaphore, #tpu.memory_space<semaphore_mem>>)
      } else {
      }
      %lt3A_123 = arith.constant 160 : i32
      %lt3A_124 = arith.cmpi slt, %scan3A_73, %lt3A_123 : i32
      %mul3A_125 = arith.constant 112 : i32
      %mul3A_126 = arith.muli %arg0, %mul3A_125 : i32
      %get3A_127 = arith.index_cast %min3A_76 : i32 to index
      %get3A_128 = arith.index_cast %mul3A_126 : i32 to index
      %get3A_129 = tpu.vector_load %arg5[%get3A_127, %get3A_128] {strides = array<i32>} : memref<160x128xi32, #tpu.memory_space<vmem>>, vector<1x16xi32>,
      %get3A_130 = vector.shape_cast %get3A_129 : vector<1x16xi32> to vector<16xi32>
      %eq3A_131 = arith.constant 0 : i32
      %eq3A_132 = arith.cmpi eq, %arg0, %eq3A_131 : i32
      %slice3A_133 = vector.extract_strided_slice %get3A_130 {offsets = [0], sizes = [1], strides = [1]} : vector<16xi32> to vector<1xi32>
      %squeeze3A_134 = vector.extract %slice3A_133[0] : i32 from vector<1xi32>
      %slice3A_135 = vector.extract_strided_slice %get3A_130 {offsets = [15], sizes = [1], strides = [1]} : vector<16xi32> to vector<1xi32>
      %squeeze3A_136 = vector.extract %slice3A_135[0] : i32 from vector<1xi32>
      %select_n3A_137 = arith.select %eq3A_132, %squeeze3A_134, %squeeze3A_136 : i32
      %lt3A_138 = arith.constant 5000 : i32
      %lt3A_139 = arith.cmpi slt, %select_n3A_137, %lt3A_138 : i32
      %and3A_140 = arith.andi %lt3A_124, %lt3A_139 : i1
      %convert_element_type3A_141 = arith.extui %and3A_140 : i1 to i32
      %cond3A_142 = arith.constant 0 : i32
      %cond3A_143 = arith.cmpi ne, %convert_element_type3A_141, %cond3A_142 : i32
      scf.if %cond3A_143 {
        %rem3A = arith.constant 3 : i32
        %rem3A_144 = arith.remsi %min3A_76, %rem3A : i32
        %dma_wait3A = arith.constant 0 : i32
        %dma_wait3A_145 = arith.constant 0 : i32
        %dma_wait3A_146 = tpu.memref_slice %arg6[%rem3A_144, %dma_wait3A, %dma_wait3A_145] : memref<3x128x128xf32, #tpu.memory_space<vmem>> -> memref<1x128x128xf32, #tpu.memory_space<vmem>>
        %dma_wait3A_147 = tpu.memref_squeeze %dma_wait3A_146 : memref<1x128x128xf32, #tpu.memory_space<vmem>> -> memref<128x128xf32, #tpu.memory_space<vmem>>
        %dma_wait3A_148 = arith.constant 0 : i32
        %dma_wait3A_149 = arith.constant 0 : i32
        %dma_wait3A_150 = tpu.memref_slice %arg2[%dma_wait3A_148, %dma_wait3A_149] : memref<320000x128xf32, #tpu.memory_space<hbm>> -> memref<128x128xf32, #tpu.memory_space<hbm>>
        %dma_wait3A_151 = arith.constant 0 : i32
        %dma_wait3A_152 = arith.constant 0 : i32
        %dma_wait3A_153 = tpu.memref_slice %arg6[%rem3A_144, %dma_wait3A_151, %dma_wait3A_152] : memref<3x128x128xf32, #tpu.memory_space<vmem>> -> memref<1x128x128xf32, #tpu.memory_space<vmem>>
        %dma_wait3A_154 = tpu.memref_squeeze %dma_wait3A_153 : memref<1x128x128xf32, #tpu.memory_space<vmem>> -> memref<128x128xf32, #tpu.memory_space<vmem>>
        %dma_wait3A_155 = arith.constant 0 : i32
        %dma_wait3A_156 = arith.constant 0 : i32
        %dma_wait3A_157 = tpu.memref_slice %arg2[%dma_wait3A_155, %dma_wait3A_156] : memref<320000x128xf32, #tpu.memory_space<hbm>> -> memref<128x128xf32, #tpu.memory_space<hbm>>
        tpu.wait_dma2 semaphore(%arg9 : memref<!tpu.dma_semaphore, #tpu.memory_space<semaphore_mem>>) src(%dma_wait3A_157 : memref<128x128xf32, #tpu.memory_space<hbm>>) dst(%dma_wait3A_154 : memref<128x128xf32, #tpu.memory_space<vmem>>)
        %dma_start3A = arith.constant 0 : i32
        %dma_start3A_158 = arith.constant 0 : i32
        %dma_start3A_159 = tpu.memref_slice %arg6[%rem3A_144, %dma_start3A, %dma_start3A_158] : memref<3x128x128xf32, #tpu.memory_space<vmem>> -> memref<1x128x128xf32, #tpu.memory_space<vmem>>
        %dma_start3A_160 = tpu.memref_squeeze %dma_start3A_159 : memref<1x128x128xf32, #tpu.memory_space<vmem>> -> memref<128x128xf32, #tpu.memory_space<vmem>>
        %dma_start3A_161 = arith.constant 0 : i32
        %dma_start3A_162 = tpu.memref_slice %arg5[%min3A_76, %dma_start3A_161] : memref<160x128xi32, #tpu.memory_space<vmem>> -> memref<1x128xi32, #tpu.memory_space<vmem>>
        %dma_start3A_163 = tpu.memref_squeeze %dma_start3A_162 : memref<1x128xi32, #tpu.memory_space<vmem>> -> memref<128xi32, #tpu.memory_space<vmem>>
        %dma_start3A_164 = arith.constant 0 : i32
        %dma_start3A_165 = arith.constant 0 : i32
        %dma_start3A_166 = tpu.memref_slice %arg8[%dma_start3A_164, %dma_start3A_165] : memref<5008x128xf32, #tpu.memory_space<vmem_shared>> -> memref<5008x128xf32, #tpu.memory_space<vmem_shared>>
        tpu.enqueue_indirect_dma source(%dma_start3A_160 : memref<128x128xf32, #tpu.memory_space<vmem>>) target(%dma_start3A_166 : memref<5008x128xf32, #tpu.memory_space<vmem_shared>>) offsets(%dma_start3A_163 : memref<128xi32, #tpu.memory_space<vmem>>) semaphore(%arg10 : memref<!tpu.dma_semaphore, #tpu.memory_space<semaphore_mem>>) {add = true}
      } else {
      }
    }
    %scan3A_59 = arith.constant 161 : i32
    %barrier3A_60 = arith.constant 0 : index
    tpu.barrier barrier_id(%barrier3A_60)
    %mul3A_61 = arith.constant 312 : i32
    %mul3A_62 = arith.muli %arg1, %mul3A_61 : i32
    %mul3A_63 = arith.constant 5000 : i32
    %mul3A_64 = arith.muli %arg0, %mul3A_63 : i32
    %mul3A_65 = arith.constant 312 : i32
    %mul3A_66 = arith.muli %arg1, %mul3A_65 : i32
    %add3A_67 = arith.addi %mul3A_64, %mul3A_66 : i32
    "tpu.region"() ({
      %run_scoped3A = tpu.sem_alloc : memref<!tpu.dma_semaphore, #tpu.memory_space<semaphore_mem>>
      %dma_start3A = arith.constant 0 : i32
      %dma_start3A_73 = tpu.memref_slice %arg4[%add3A_67, %dma_start3A] : memref<10000x128xf32, #tpu.memory_space<hbm>> -> memref<312x128xf32, #tpu.memory_space<hbm>>
      %dma_start3A_74 = arith.constant 0 : i32
      %dma_start3A_75 = tpu.memref_slice %arg8[%mul3A_62, %dma_start3A_74] : memref<5008x128xf32, #tpu.memory_space<vmem_shared>> -> memref<312x128xf32, #tpu.memory_space<vmem_shared>>
      tpu.enqueue_dma source(%dma_start3A_75 : memref<312x128xf32, #tpu.memory_space<vmem_shared>>) target(%dma_start3A_73 : memref<312x128xf32, #tpu.memory_space<hbm>>) target_semaphore(%run_scoped3A : memref<!tpu.dma_semaphore, #tpu.memory_space<semaphore_mem>>)
      %dma_wait3A = arith.constant 0 : i32
      %dma_wait3A_76 = tpu.memref_slice %arg4[%add3A_67, %dma_wait3A] : memref<10000x128xf32, #tpu.memory_space<hbm>> -> memref<312x128xf32, #tpu.memory_space<hbm>>
      %dma_wait3A_77 = arith.constant 0 : i32
      %dma_wait3A_78 = tpu.memref_slice %arg8[%mul3A_62, %dma_wait3A_77] : memref<5008x128xf32, #tpu.memory_space<vmem_shared>> -> memref<312x128xf32, #tpu.memory_space<vmem_shared>>
      tpu.wait_dma2 semaphore(%run_scoped3A : memref<!tpu.dma_semaphore, #tpu.memory_space<semaphore_mem>>) src(%dma_wait3A_78 : memref<312x128xf32, #tpu.memory_space<vmem_shared>>) dst(%dma_wait3A_76 : memref<312x128xf32, #tpu.memory_space<hbm>>)
      tpu.yield
    }) : () -> ()
    %eq3A_68 = arith.constant 15 : i32
    %eq3A_69 = arith.cmpi eq, %arg1, %eq3A_68 : i32
    %convert_element_type3A_70 = arith.extui %eq3A_69 : i1 to i32
    %cond3A_71 = arith.constant 0 : i32
    %cond3A_72 = arith.cmpi ne, %convert_element_type3A_70, %cond3A_71 : i32
    scf.if %cond3A_72 {
      %mul3A_73 = arith.constant 5000 : i32
      %mul3A_74 = arith.muli %arg0, %mul3A_73 : i32
      %add3A_75 = arith.constant 4992 : i32
      %add3A_76 = arith.addi %mul3A_74, %add3A_75 : i32
      "tpu.region"() ({
        %run_scoped3A = tpu.sem_alloc : memref<!tpu.dma_semaphore, #tpu.memory_space<semaphore_mem>>
        %dma_start3A = arith.constant 0 : i32
        %dma_start3A_77 = tpu.memref_slice %arg4[%add3A_76, %dma_start3A] : memref<10000x128xf32, #tpu.memory_space<hbm>> -> memref<8x128xf32, #tpu.memory_space<hbm>>
        %dma_start3A_78 = arith.constant 4992 : i32
        %dma_start3A_79 = arith.constant 0 : i32
        %dma_start3A_80 = tpu.memref_slice %arg8[%dma_start3A_78, %dma_start3A_79] : memref<5008x128xf32, #tpu.memory_space<vmem_shared>> -> memref<8x128xf32, #tpu.memory_space<vmem_shared>>
        tpu.enqueue_dma source(%dma_start3A_80 : memref<8x128xf32, #tpu.memory_space<vmem_shared>>) target(%dma_start3A_77 : memref<8x128xf32, #tpu.memory_space<hbm>>) target_semaphore(%run_scoped3A : memref<!tpu.dma_semaphore, #tpu.memory_space<semaphore_mem>>)
        %dma_wait3A = arith.constant 0 : i32
        %dma_wait3A_81 = tpu.memref_slice %arg4[%add3A_76, %dma_wait3A] : memref<10000x128xf32, #tpu.memory_space<hbm>> -> memref<8x128xf32, #tpu.memory_space<hbm>>
        %dma_wait3A_82 = arith.constant 4992 : i32
        %dma_wait3A_83 = arith.constant 0 : i32
        %dma_wait3A_84 = tpu.memref_slice %arg8[%dma_wait3A_82, %dma_wait3A_83] : memref<5008x128xf32, #tpu.memory_space<vmem_shared>> -> memref<8x128xf32, #tpu.memory_space<vmem_shared>>
        tpu.wait_dma2 semaphore(%run_scoped3A : memref<!tpu.dma_semaphore, #tpu.memory_space<semaphore_mem>>) src(%dma_wait3A_84 : memref<8x128xf32, #tpu.memory_space<vmem_shared>>) dst(%dma_wait3A_81 : memref<8x128xf32, #tpu.memory_space<hbm>>)
        tpu.yield
      }) : () -> ()
    } else {
    }
    return
  }
}

</mosaic_0001>

<sc_bundles>
// kernel: kernel.3.cloned.1.call-start
scs
__scs_entry_jumppad:
0x0: {  	(pc) =	sbr.rel $0x88, $3  }
0x1: {  	(tag) =	ssettag $0x0;
	lr =	simm.s32 $0x1  }
0x2: {  	[smem:$0x3F9F] =	sst lr;
	_ =	strace $0xD0000000  }
0x3: {  	_ = 	snop  }
0x4: {  	_ = 	snop  }
0x5: {  	_ = 	snop  }
0x6: {  	_ = 	snop  }
0x7: {  	_ = 	snop  }
__scs_overlays_trampoline_lowered:
0x8: {  	[smem:$0x3FAE] =	sst s0  }
0x9: {  	[smem:$0x3FAF] =	sst s1  }
0xa: {  	[smem:$0x3FB0] =	sst s2  }
0xb: {  	[smem:$0x3FB1] =	sst s3  }
0xc: {  	[smem:$0x3FB2] =	sst s4  }
0xd: {  	[smem:$0x3FB3] =	sst s5  }
0xe: {  	[smem:$0x3FB4] =	sst s6  }
0xf: {  	[smem:$0x3FB5] =	sst s7  }
0x10: {  	[smem:$0x3FB6] =	sst s8  }
0x11: {  	[smem:$0x3FB7] =	sst s9;
	s0 =	simm.s32 @!p0 $0x0  }
0x12: {  	s1 =	sld [smem:$0x3F9D];
	s0 =	simm.s32 @p0 $0x1  }
0x13: {  	[smem:$0x3FB8] =	sst s0;
	s0 =	simm.s32 @!p1 $0x0  }
0x14: {  	s2 =	sld [smem:$0x3F9C];
	s0 =	simm.s32 @p1 $0x1  }
0x15: {  	[smem:$0x3FB9] =	sst s0;
	s0 =	simm.s32 @!p2 $0x0  }
0x16: {  	s3 =	sld [smem:$0x3FDB];
	s0 =	simm.s32 @p2 $0x1  }
0x17: {  	s4 =	simm.s32 $0x1BF5;
	[smem:$0x3FBB] =	sst s0  }
0x18: {  	s0 =	sld [smem:$0x3F9E];
	_ =	swait.ge [sflag:s4], $0x0  }
0x19: {  	s7 =	sld [smem:$0x3F9F]  }
0x1a: {  	s8 =	sadd.s32 $0xFFFFE003, lr  }
0x1b: {  	s9 =	sadd.s32 $0xFFFFFEF7, lr;
	s5 =	simm.s32 $0xFFFFFFFF;
	p2 =	slt.u32 s8, $0xFFFFF086  }
0x1c: {  	p1 =	slt.u32 s9, $0xF7A;
	s5 =	simm.s32 @!p2 $0x0  }
0x1d: {  	s5 =	simm.s32 @p1 $0x1;
	p0 =	seq.s32 s7, s2  }
0x1e: {  	s7 =	smul.u32 @!p0 $0xF7A, s2;
	p2 =	seq.s32 @!p0 s5, $0x0  }
0x1f: {  	s9 =	smul.u32 $0xF7A, s1;
	s8 =	simm.s32 @!p0 $0x1BF5;
	p2 =	por !p2, p0  }
0x20: {  	[sflag:s8] =	ssyncset.s32 @!p0 $0xFFFFF086;
	s6 =	sadd.s32 @!p0 s3, s7;
	s7 =	simm.s32 @!p0 $0x108  }
0x21: {  	s3 =	sadd.s32 s3, s9;
	s6 =	sadd.s32 @!p0 $0x88, s6;
	s7 =	simm.s32 @p2 $0x1082  }
0x22: {  	[simem:s7], [sflag:s8] =	dma.local @!p0 [hbm:s6], $0xF7A  }
0x23: {  	s9 =	sor.u32 $0xD0000000, s2;
	s6 =	simm.s32 $0x108;
	_ =	swait.ge @!p0 [sflag:s8], $0x0  }
0x24: {  	s3 =	sadd.s32 $0x88, s3;
	s6 =	simm.s32 @!p1 $0x1082;
	[sflag:s4] =	ssyncset.s32 $0xFFFFF086  }
0x25: {  	[simem:s6], [sflag:s4] =	dma.local [hbm:s3], $0xF7A  }
0x26: {  	[smem:$0x3F9F] =	sst s1;
	(tag) =	ssettag s2;
	_ =	strace s9  }
0x27: {  	s1 =	sld [smem:$0x3FAF]  }
0x28: {  	s2 =	sld [smem:$0x3FB0]  }
0x29: {  	s4 =	sld [smem:$0x3FB2]  }
0x2a: {  	p0 =	seq.s32 s5, $0x0;
	s5 =	sld [smem:$0x3FB3]  }
0x2b: {  	s6 =	sld [smem:$0x3FB4]  }
0x2c: {  	s7 =	sld [smem:$0x3FB5]  }
0x2d: {  	s3 =	simm.s32 $0x108;
	s8 =	sld [smem:$0x3FB6]  }
0x2e: {  	s3 =	simm.s32 @!p0 $0x1082;
	s9 =	sld [smem:$0x3FB7]  }
0x2f: {  	lr =	sadd.s32 s0, s3;
	s0 =	sld [smem:$0x3FAE]  }
0x30: {  	s3 =	sld [smem:$0x3FB1]  }
0x31: {  	[smem:$0x3FBA] =	sst s10  }
0x32: {  	s10 =	sld [smem:$0x3FB8];
	_ =	sdelay $0x3  }
0x33: {  	p0 =	seq.s32 s10, $0x1;
	s10 =	sld [smem:$0x3FBA];
	_ =	sdelay $0x3  }
0x34: {  	[smem:$0x3FBA] =	sst s10  }
0x35: {  	s10 =	sld [smem:$0x3FB9];
	_ =	sdelay $0x3  }
0x36: {  	p1 =	seq.s32 s10, $0x1;
	s10 =	sld [smem:$0x3FBA];
	_ =	sdelay $0x3  }
0x37: {  	[smem:$0x3FBA] =	sst s10  }
0x38: {  	s10 =	sld [smem:$0x3FBB]  }
0x39: {  	_ = 	snop;
	(pc) =	sbr.ind lr, $3  }
0x3a: {  	_ = 	snop  }
0x3b: {  	_ = 	snop  }
0x3c: {  	p2 =	seq.s32 s10, $0x1;
	s10 =	sld [smem:$0x3FBA]  }
0x3d: {  	_ =	shalt  }
0x3e: {  	_ =	shalt  }
0x3f: {  	_ =	shalt  }
0x40: {  	_ =	shalt  }
0x41: {  	_ =	shalt  }
0x42: {  	_ =	shalt  }
0x43: {  	_ =	shalt  }
0x44: {  	_ =	shalt  }
0x45: {  	_ =	shalt  }
0x46: {  	_ =	shalt  }
0x47: {  	_ =	shalt  }
0x48: {  	_ =	shalt  }
0x49: {  	_ =	shalt  }
0x4a: {  	_ =	shalt  }
0x4b: {  	_ =	shalt  }
0x4c: {  	_ =	shalt  }
0x4d: {  	_ =	shalt  }
0x4e: {  	_ =	shalt  }
0x4f: {  	_ =	shalt  }
0x50: {  	_ =	shalt  }
0x51: {  	_ =	shalt  }
0x52: {  	_ =	shalt  }
0x53: {  	_ =	shalt  }
0x54: {  	_ =	shalt  }
0x55: {  	_ =	shalt  }
0x56: {  	_ =	shalt  }
0x57: {  	_ =	shalt  }
0x58: {  	_ =	shalt  }
0x59: {  	_ =	shalt  }
0x5a: {  	_ =	shalt  }
0x5b: {  	_ =	shalt  }
0x5c: {  	_ =	shalt  }
0x5d: {  	_ =	shalt  }
0x5e: {  	_ =	shalt  }
0x5f: {  	_ =	shalt  }
0x60: {  	_ =	shalt  }
0x61: {  	_ =	shalt  }
0x62: {  	_ =	shalt  }
0x63: {  	_ =	shalt  }
0x64: {  	_ =	shalt  }
0x65: {  	_ =	shalt  }
0x66: {  	_ =	shalt  }
0x67: {  	_ =	shalt  }
0x68: {  	_ =	shalt  }
0x69: {  	_ =	shalt  }
0x6a: {  	_ =	shalt  }
0x6b: {  	_ =	shalt  }
0x6c: {  	_ =	shalt  }
0x6d: {  	_ =	shalt  }
0x6e: {  	_ =	shalt  }
0x6f: {  	_ =	shalt  }
0x70: {  	_ =	shalt  }
0x71: {  	_ =	shalt  }
0x72: {  	_ =	shalt  }
0x73: {  	_ =	shalt  }
0x74: {  	_ =	shalt  }
0x75: {  	_ =	shalt  }
0x76: {  	_ =	shalt  }
0x77: {  	_ =	shalt  }
0x78: {  	_ =	shalt  }
0x79: {  	_ =	shalt  }
0x7a: {  	_ =	shalt  }
0x7b: {  	_ =	shalt  }
0x7c: {  	_ =	shalt  }
0x7d: {  	_ =	shalt  }
0x7e: {  	_ =	shalt  }
0x7f: {  	_ =	shalt  }
0x80: {  	_ =	shalt  }
0x81: {  	_ =	shalt  }
0x82: {  	_ =	shalt  }
0x83: {  	_ =	shalt  }
0x84: {  	_ =	shalt  }
0x85: {  	_ =	shalt  }
0x86: {  	_ =	shalt  }
0x87: {  	_ =	shalt  }
.Lfunc_end0:
.L_simem_size_0:
called_computation_lowered:
.L_overlay_start_0:
0x88: {  	s2 =	sld [smem:$0x3FD9]  }
0x89: {  	s3 =	sld [smem:$0x3FFE];
	_ =	sdelay $0x1  }
0x8a: {  	s1 =	srdreg.scid  }
0x8b: {  	s0 =	sand.u32 $0x1, s1  }
0x8c: {  	s17 =	sshll.u32 s0, $0xA;
	s2 =	sadd.s32 s3, s2  }
0x8d: {  	s2 =	sadd.s32 s2, s17  }
0x8e: {  	[smem:$0x3FC6] =	sst s2  }
0x8f: {  	_ = 	snop  }
0x90: {  	s2 =	sld [smem:$0x3FC9]  }
0x91: {  	s18 =	sld [smem:$0x3FD0];
	(tm) =	ssettm $0x1  }
0x92: {  	s4 =	sld [smem:$0x3FFB];
	_ =	sdelay $0x3  }
0x93: {  	_ =	strace s4  }
0x94: {  	s4 =	sld [smem:$0x3FFC];
	_ =	sdelay $0x3  }
0x95: {  	_ =	strace s4  }
0x96: {  	s4 =	sld [smem:$0x3FFD];
	_ =	sdelay $0x3  }
0x97: {  	_ =	strace s4  }
0x98: {  	_ =	strace $0x8FFFFFFF  }
0x99: {  	s19 =	sld [smem:$0x3FDB];
	_ =	sdelay $0x1  }
0x9a: {  	s5 =	simm.s32 $_scs_section_size  }
0x9b: {  	s6 =	simm.s32 $_size__tile_overlayer_lowered;
	s7 =	simm.s32 $_tile_overlayer_lowered  }
0x9c: {  	s22 =	simm.s32 $0x1BFF;
	s21 =	sshll.u32 s7, $0x1;
	s4 =	sadd.s32 s5, s19  }
0x9d: {  	s8 =	simm.s32 $0x0;
	s20 =	sshll.u32 s6, $0x1;
	s6 =	sadd.s32 s21, s4  }
0x9e: {  	[timem:s8], [sflag:s22] =	dma.local [hbm:s6], s20  }
0x9f: {  	_ =	swait.ge [sflag:s22], s20  }
0xa0: {  	s5 =	ssub.s32 $0x0, s20;
	[sflag:s22] =	ssyncset.done $0x0  }
0xa1: {  	[sflag:s22] =	ssyncadd.s32 s5;
	_ =	sdelay $0x1  }
0xa2: {  	s23 =	simm.s32 $0x1B8B  }
0xa3: {  	_ =	swait.ge [sflag:s23], $0x1  }
0xa4: {  	[sflag:s23] =	ssyncset.done $0x0  }
0xa5: {  	s25 =	simm.s32 $0x1B8E;
	s24 =	sld [smem:$0x3FFE];
	[sflag:s23] =	ssyncadd.s32 $0xFFFFFFFF  }
0xa6: {  	s26 =	simm.s32 $execute0_lowered;
	[smem:$0x3FD2] =	sst s25  }
0xa7: {  	s6 =	sshll.u32 s26, $0x1;
	_ =	strace $0x80000046;
	[dreg:$0x1] =	wrdreg $0xFFFFFFFF  }
0xa8: {  	s28 =	simm.s32 $_size_execute0_lowered;
	s4 =	sadd.s32 s4, s6;
	[dreg:$0x0] =	wrdreg $0x0  }
0xa9: {  	s6 =	sshll.u32 s28, $0x1;
	[dreg:$0x2] =	wrdreg s4  }
0xaa: {  	[dreg:$0x3] =	wrdreg s6  }
0xab: {  	[dreg:$0x4] =	wrdreg $0xC0  }
0xac: {  	_ =	task [dreg:s8], $0x5FFFF  }
0xad: {  	[dreg:$0x1] =	wrdreg $0xFFFFFFFF  }
0xae: {  	[dreg:$0x0] =	wrdreg $0x60  }
0xaf: {  	[dreg:$0x2] =	wrdreg s2  }
0xb0: {  	[dreg:$0x3] =	wrdreg s24  }
0xb1: {  	[dreg:$0x4] =	wrdreg s18  }
0xb2: {  	[dreg:$0x5] =	wrdreg $0x138000  }
0xb3: {  	[dreg:$0x6] =	wrdreg $0x9  }
0xb4: {  	_ =	task.clear_ibuf [dreg:s8], $0x7FFFF;
	_ =	strace $0x90000046  }
0xb5: {  	s29 =	simm.s32 $0x9;
	_ =	strace $0x80000048  }
0xb6: {  	_ =	swait.ge [sflag:s29], $0x1  }
0xb7: {  	[sflag:s29] =	ssyncadd.s32 $0xFFFFFFFF  }
0xb8: {  	_ =	strace $0x90000048  }
0xb9: {  	_ =	sfence  }
0xba: {  	s30 =	sld [smem:$0x0];
	_ =	sdelay $0x2  }
0xbb: {  	s31 =	sshll.u32 s1, $0xD;
	s1 =	sshrl.u32 s1, $0x2  }
0xbc: {  	s3 =	sand.u32 $0x4000, s31;
	s1 =	sadd.s32 s1, s30  }
0xbd: {  	s0 =	sor.u32 s3, s0;
	s1 =	sshll.u32 s1, $0x11  }
0xbe: {  	s0 =	sor.u32 s1, s0  }
0xbf: {  	s0 =	sadd.s32 $0x8F2B, s0  }
0xc0: {  	[sflag:s0] =	ssyncadd.remote.s32 $0x1  }
0xc1: {  	_ =	sfence.sel $0xFFFF  }
0xc2: {  	[dreg:$0x0] =	wrdreg $0xFFFFFFFF;
	(pc) =	sbr.abs _section_cstart, $3  }
0xc3: {  	[dreg:$0x1] =	wrdreg $0xFFFFFFFF  }
0xc4: {  	_ =	task.clear_ibuf [dreg:s8], $0x2FFFF;
	_ =	strace $0x9FFFFFFF  }
0xc5: {  	(tm) =	ssettm $0x7FFFFFFF  }
tec
execute0_lowered:
.L_overlay_start_1:
0x0: {  	(tag) =	ssettag $0x1  }
0x1: {  	s0 =	srdreg.scid  }
0x2: {  	s11 =	rddreg [dreg:$0x0];
	s18 =	sand.u32 $0x1, s0  }
0x3: {  	s0 =	stileid.u32;
	s5 =	smul.u32 $0x50000, s18  }
0x4: {  	s4 =	rddreg [dreg:$0x1];
	s6 =	smul.u32 $0x5000, s0  }
0x5: {  	s14 =	rddreg [dreg:$0x2];
	s29 =	smul.u32 $0x27000, s0  }
0x6: {  	s2 =	rddreg [dreg:$0x3];
	s12 =	smul.u32 $0x1380, s0  }
0x7: {  	s1 =	rddreg [dreg:$0x4];
	s3 =	simm.s32 $0x0;
	s13 =	smul.u32 $0x13880, s18  }
0x8: {  	[smem:$0x7FF] =	sst s3;
	s8 =	sadd.s32 $0x9C000, s2;
	s16 =	smul.u32 $0x9C400, s18  }
0x9: {  	_ =	strace $0x80000047;
	s7 =	ssub.s32 $0x2, s18;
	s10 =	smul.u32 $0x70, s18  }
0xa: {  	s17 =	sshll.u32 s0, $0xB;
	p0 =	sne.s32 s0, $0xF;
	s19 =	sshll.u32 s0, $0x6  }
0xb: {  	p1 =	seq.s32 s18, $0x0;
	s30 =	sshrl.u32 s7, $0x1;
	s11 =	sadd.s32 s11, s17  }
0xc: {  	s17 =	simm.s32 $0x3;
	s18 =	sor.u32 $0x1C03, s19;
	s19 =	simm.s32 $0x0  }
0xd: {  	s5 =	sadd.s32 s6, s5;
	s31 =	sshrl.u32 s29, $0x2;
	s15 =	ssub.s32 s7, s30  }
0xe: {  	s13 =	sadd.s32 s12, s13;
	s16 =	sshrl.u32 s16, $0x3;
	s12 =	sadd.s32 $0x8000, s11  }
0xf: {  	s5 =	sshrl.u32 s5, $0x3;
	s13 =	sadd.s32 s14, s13;
	s14 =	sadd.s32 s14, s16  }
0x10: {  	s15 =	smax.u32 s15, $0x1;
	s9 =	sadd.s32 s5, s4;
	s4 =	sadd.s32 s31, s2  }
0x11: {  	s16 =	simm.s32 $0x11000;
	s14 =	sadd.s32 $0x13800, s14;
	s5 =	sadd.s32 $0x2700, s4  }
0x12: {  	v0 =	vimm.f32 $0.0e+00;
	s6 =	sadd.s32 $0x4E00, s4;
	s7 =	sadd.s32 $0x7500, s4;
	s9 =	sadd.s32 $0x800, s9  }
.LBB2_1:
0x13: {  	s20 =	simm.s32 $0x0;
	s21 =	simm.s32 $0x200  }
.LBB2_2:
0x14: {  	p2 =	sne.s32 s21, $0x9A00;
	[tilespmem:s20+$0x11070] =	vst v0  }
0x15: {  	[tilespmem:s20+$0x11000] =	vst v0  }
0x16: {  	[tilespmem:s20+$0x11010] =	vst v0  }
.Ltmp0:
0x17: {  	[tilespmem:s20+$0x11020] =	vst v0;
	(pc) =	sbr.rel @p2 .LBB2_2-.Ltmp0, $4  }
0x18: {  	[tilespmem:s20+$0x11030] =	vst v0  }
0x19: {  	[tilespmem:s20+$0x11040] =	vst v0  }
0x1a: {  	[tilespmem:s20+$0x11050] =	vst v0  }
0x1b: {  	[tilespmem:s20+$0x11060] =	vst v0;
	s20 =	sshra.s32 s21, $0x2;
	s21 =	sadd.s32 $0x200, s21  }
0x1c: {  	[tilespmem:s20+$0x11070] =	vst v0  }
0x1d: {  	[tilespmem:s20+$0x11000] =	vst v0  }
0x1e: {  	[tilespmem:s20+$0x11010] =	vst v0  }
0x1f: {  	[tilespmem:s20+$0x11020] =	vst v0  }
0x20: {  	[tilespmem:s20+$0x11030] =	vst v0  }
0x21: {  	[tilespmem:s20+$0x11040] =	vst v0  }
0x22: {  	[tilespmem:s20+$0x11050] =	vst v0  }
0x23: {  	[tilespmem:s20+$0x11060] =	vst v0  }
0x24: {  	[spmem:s4] =	stream.linear.scatter [tilespmem:s16], [sflag:$0x3], $0x2700, $0x38;
	[tilespmem:$0x1D480] =	vst v63  }
0x25: {  	_ =	swait.ge [sflag:s17], $0x2700  }
0x26: {  	[sflag:s17] =	ssyncset.done $0x0  }
0x27: {  	[sflag:s17] =	ssyncadd.s32 $0xFFFFD900  }
0x28: {  	[spmem:s5] =	stream.linear.scatter [tilespmem:s16], [sflag:$0x3], $0x2700, $0x38;
	[tilespmem:$0x1D480] =	vst v63  }
0x29: {  	_ =	swait.ge [sflag:s17], $0x2700  }
0x2a: {  	[sflag:s17] =	ssyncset.done $0x0  }
0x2b: {  	[sflag:s17] =	ssyncadd.s32 $0xFFFFD900  }
0x2c: {  	[spmem:s6] =	stream.linear.scatter [tilespmem:s16], [sflag:$0x3], $0x2700, $0x38;
	[tilespmem:$0x1D480] =	vst v63  }
0x2d: {  	_ =	swait.ge [sflag:s17], $0x2700  }
0x2e: {  	[sflag:s17] =	ssyncset.done $0x0  }
0x2f: {  	[sflag:s17] =	ssyncadd.s32 $0xFFFFD900  }
0x30: {  	[spmem:s7] =	stream.linear.scatter [tilespmem:s16], [sflag:$0x3], $0x2700, $0x38;
	[tilespmem:$0x1D480] =	vst v63  }
0x31: {  	_ =	swait.ge [sflag:s17], $0x2700  }
0x32: {  	[sflag:s17] =	ssyncset.done $0x0  }
0x33: {  	s20 =	simm.s32 @!p0 $0x11000;
	[sflag:s17] =	ssyncadd.s32 $0xFFFFD900  }
0x34: {  	[spmem:s8] =	stream.linear.scatter @!p0 [tilespmem:s20], [sflag:$0x3], $0x800, $0x38;
	[tilespmem:$0x1D480] =	vst v63  }
0x35: {  	s20 =	simm.s32 @!p0 $0x3  }
0x36: {  	_ =	swait.ge @!p0 [sflag:s20], $0x800  }
0x37: {  	[sflag:s20] =	ssyncset.done @!p0 $0x0  }
0x38: {  	[sflag:s20] =	ssyncadd.s32 @!p0 $0xFFFFF800  }
0x39: {  	[tilespmem:s3], [sflag:$0x3] =	stream.linear.gather [hbm4b:s9+s3], $0x5000, $0x38;
	[tilespmem:$0x1D480] =	vst v63  }
0x3a: {  	_ =	swait.ge [sflag:s17], $0x5000  }
0x3b: {  	[sflag:s17] =	ssyncset.done $0x0  }
0x3c: {  	[sflag:s17] =	ssyncadd.s32 $0xFFFFB000  }
0x3d: {  	[bflag:$0x0] =	sbarrier.arrive $0xFFFF  }
0x3e: {  	v1 =	vld [tilespmem:s10+$0x0];
	_ =	sdelay $0x4  }
0x3f: {  	(v2sf) =	vpush v1, $0x0  }
0x40: {  	(v2sf) =	vpush v1, $0xF;
	_ =	sdelay $0xd  }
0x41: {  	s20 =	spop (v2sf)  }
0x42: {  	s21 =	spop (v2sf)  }
0x43: {  	s21 =	smov.u32 @p1 s20  }
0x44: {  	p2 =	sgt.s32 s21, $0x1387  }
0x45: {  	s20 =	simm.s32 @!p2 $0x0;
	s21 =	simm.s32 @!p2 $0x5000  }
0x46: {  	[tilespmem:s21], [sflag:$0x1] =	stream.linear.gather @!p2 [hbm4b:s11+s20], $0x4000, $0x38;
	[tilespmem:$0x1D480] =	vst v63  }
0x47: {  	v1 =	vld [tilespmem:s10+$0x80];
	_ =	sdelay $0x4  }
0x48: {  	(v2sf) =	vpush v1, $0x0  }
0x49: {  	(v2sf) =	vpush v1, $0xF;
	_ =	sdelay $0xd  }
0x4a: {  	s20 =	spop (v2sf)  }
0x4b: {  	s21 =	spop (v2sf)  }
0x4c: {  	s21 =	smov.u32 @p1 s20  }
0x4d: {  	s29 =	simm.s32 $0x0;
	p2 =	sgt.s32 s21, $0x1387  }
0x4e: {  	s30 =	smax.u32 s29, $0x1;
	s20 =	simm.s32 @!p2 $0x0;
	s21 =	simm.s32 @!p2 $0x9000  }
0x4f: {  	[tilespmem:s21], [sflag:$0x1] =	stream.linear.gather @!p2 [hbm4b:s12+s20], $0x4000, $0x38;
	[tilespmem:$0x1D480] =	vst v63  }
0x50: {  	s21 =	sshll.u32 s30, $0x7  }
0x51: {  	s21 =	sand.u32 $0x3FFFFF80, s21  }
0x52: {  	s21 =	sor.u32 s10, s21  }
0x53: {  	v1 =	vld [tilespmem:s21+$0xFFFFFF80];
	_ =	sdelay $0x4  }
0x54: {  	(v2sf) =	vpush v1, $0x0  }
0x55: {  	(v2sf) =	vpush v1, $0xF;
	_ =	sdelay $0xd  }
0x56: {  	s21 =	spop (v2sf)  }
0x57: {  	s22 =	spop (v2sf)  }
0x58: {  	p2 =	por $0x1, $0x1;
	s22 =	smov.u32 @p1 s21  }
0x59: {  	p3 =	sgt.s32 @!p2 s22, $0x1387  }
0x5a: {  	p2 =	por p3, p2  }
0x5b: {  	s31 =	smin.u32 s29, $0x9D;
	s22 =	simm.s32 @!p2 $0x2  }
0x5c: {  	s21 =	sadd.s32 $0x2, s31;
	_ =	swait.ge @!p2 [sflag:s22], $0x4000  }
0x5d: {  	s23 =	sshll.u32 s21, $0x7;
	[sflag:s22] =	ssyncset.done @!p2 $0x0  }
0x5e: {  	s23 =	sor.u32 s23, s10;
	[sflag:s22] =	ssyncadd.s32 @!p2 $0xFFFFC000  }
0x5f: {  	v1 =	vld [tilespmem:s23+$0x0];
	_ =	sdelay $0x4  }
0x60: {  	(v2sf) =	vpush v1, $0x0  }
0x61: {  	(v2sf) =	vpush v1, $0xF;
	_ =	sdelay $0xd  }
0x62: {  	s22 =	spop (v2sf)  }
0x63: {  	s23 =	spop (v2sf)  }
0x64: {  	p2 =	por $0x0, $0x0;
	s23 =	smov.u32 @p1 s22  }
0x65: {  	p3 =	sgt.s32 @!p2 s23, $0x1387  }
0x66: {  	p2 =	por p3, p2  }
0x67: {  	s22 =	smul.u32 @!p2 $0xAB, s21;
	_ =	sdelay $0x1  }
0x68: {  	s22 =	sshrl.u32 @!p2 s22, $0x9  }
0x69: {  	s22 =	sand.u32 @!p2 $0x7F, s22  }
0x6a: {  	s22 =	smul.u32 @!p2 $0x3, s22;
	_ =	sdelay $0x1  }
0x6b: {  	s24 =	smin.u32 s29, $0x9F;
	s22 =	ssub.s32 @!p2 s21, s22  }
0x6c: {  	s23 =	sshll.u32 s24, $0x7;
	s20 =	sand.u32 @!p2 $0xFF, s22  }
0x6d: {  	s25 =	sor.u32 s10, s23;
	s21 =	sshll.u32 @!p2 s21, $0xF;
	s20 =	sshll.u32 @!p2 s20, $0xE  }
0x6e: {  	s21 =	sadd.s32 @!p2 s21, s11;
	s22 =	simm.s32 @!p2 $0x0;
	s20 =	sadd.s32 @!p2 $0x5000, s20  }
0x6f: {  	[tilespmem:s20], [sflag:$0x1] =	stream.linear.gather @!p2 [hbm4b:s21+s22], $0x4000, $0x38;
	[tilespmem:$0x1D480] =	vst v63  }
0x70: {  	v1 =	vld [tilespmem:s25+$0x0];
	_ =	sdelay $0x4  }
0x71: {  	(v2sf) =	vpush v1, $0x0  }
0x72: {  	(v2sf) =	vpush v1, $0xF;
	_ =	sdelay $0xd  }
0x73: {  	s20 =	spop (v2sf)  }
0x74: {  	s21 =	spop (v2sf)  }
0x75: {  	p2 =	por $0x0, $0x0;
	s21 =	smov.u32 @p1 s20  }
0x76: {  	p3 =	sgt.s32 @!p2 s21, $0x1387  }
0x77: {  	p3 =	por p3, p2  }
0x78: {  	s22 =	smul.u32 @!p3 $0xAB, s24;
	s25 =	simm.s32 @!p3 $0x1  }
0x79: {  	s20 =	simm.s32 $0x1;
	_ =	swait.ge @!p3 [sflag:s25], $0x4000  }
0x7a: {  	s21 =	simm.s32 $0x2;
	s22 =	sshrl.u32 @!p3 s22, $0x9;
	[sflag:s25] =	ssyncset.done @!p3 $0x0  }
.LBB2_4:
0x7b: {  	s26 =	smax.u32 s20, $0x1  }
0x7c: {  	s28 =	smul.u32 @!p3 $0x3, s22;
	s22 =	smov.u32 s21;
	s21 =	sadd.s32 $0x1, s21  }
0x7d: {  	p2 =	sne.s32 s21, $0xA1;
	s26 =	sshll.u32 s26, $0x7  }
0x7e: {  	s26 =	sand.u32 $0x3FFFFF80, s26;
	s24 =	ssub.s32 @!p3 s24, s28;
	s28 =	simm.s32 @!p3 $0x80  }
0x7f: {  	s26 =	sor.u32 s10, s26;
	s24 =	sand.u32 @!p3 $0xFF, s24;
	[sflag:s25] =	ssyncadd.s32 @!p3 $0xFFFFC000  }
0x80: {  	s24 =	sshll.u32 @!p3 s24, $0xE  }
0x81: {  	s24 =	sadd.s32 @!p3 $0x5000, s24  }
0x82: {  	[spmem:s2] =	stream.indirect.scatter.add.f32 @!p3 [tilespmem:s24], [sflag:$0x2], $0x80, s23, s28, $0xb8;
	[tilespmem:$0x1D480] =	vst v63  }
0x83: {  	v1 =	vld [tilespmem:s26+$0xFFFFFF80];
	_ =	sdelay $0x4  }
0x84: {  	(v2sf) =	vpush v1, $0x0  }
0x85: {  	(v2sf) =	vpush v1, $0xF;
	_ =	sdelay $0xd  }
0x86: {  	p3 =	seq.s32 s20, $0x0;
	s23 =	spop (v2sf)  }
0x87: {  	s24 =	spop (v2sf)  }
0x88: {  	s24 =	smov.u32 @p1 s23  }
0x89: {  	s23 =	smin.u32 s20, $0x9D;
	p4 =	sgt.s32 @!p3 s24, $0x1387  }
0x8a: {  	s23 =	sadd.s32 $0x2, s23;
	p3 =	por p4, p3  }
0x8b: {  	s25 =	sshll.u32 s23, $0x7;
	s24 =	simm.s32 @!p3 $0x2  }
0x8c: {  	s25 =	sor.u32 s25, s10;
	_ =	swait.ge @!p3 [sflag:s24], $0x4000  }
0x8d: {  	[sflag:s24] =	ssyncset.done @!p3 $0x0  }
0x8e: {  	[sflag:s24] =	ssyncadd.s32 @!p3 $0xFFFFC000  }
0x8f: {  	v1 =	vld [tilespmem:s25+$0x0];
	_ =	sdelay $0x4  }
0x90: {  	(v2sf) =	vpush v1, $0x0  }
0x91: {  	(v2sf) =	vpush v1, $0xF;
	_ =	sdelay $0xd  }
0x92: {  	p3 =	sgt.u32 s20, $0x9D;
	s24 =	spop (v2sf)  }
0x93: {  	s25 =	spop (v2sf)  }
0x94: {  	s25 =	smov.u32 @p1 s24  }
0x95: {  	p4 =	sgt.s32 @!p3 s25, $0x1387  }
0x96: {  	p3 =	por p4, p3  }
0x97: {  	s24 =	smul.u32 @!p3 $0xAB, s23;
	s25 =	sshll.u32 @!p3 s23, $0xF  }
0x98: {  	s25 =	sadd.s32 @!p3 s25, s11  }
0x99: {  	s24 =	sshrl.u32 @!p3 s24, $0x9  }
0x9a: {  	s24 =	sand.u32 @!p3 $0x7F, s24  }
0x9b: {  	s26 =	smul.u32 @!p3 $0x3, s24;
	_ =	sdelay $0x1  }
0x9c: {  	s24 =	smin.u32 s20, $0x9F;
	s23 =	ssub.s32 @!p3 s23, s26  }
0x9d: {  	s26 =	sand.u32 @!p3 $0xFF, s23;
	s23 =	sshll.u32 s24, $0x7  }
0x9e: {  	s26 =	sshll.u32 @!p3 s26, $0xE  }
0x9f: {  	s28 =	simm.s32 @!p3 $0x0;
	s29 =	sor.u32 s10, s23;
	s26 =	sadd.s32 @!p3 $0x5000, s26  }
0xa0: {  	[tilespmem:s26], [sflag:$0x1] =	stream.linear.gather @!p3 [hbm4b:s25+s28], $0x4000, $0x38;
	[tilespmem:$0x1D480] =	vst v63  }
0xa1: {  	v1 =	vld [tilespmem:s29+$0x0];
	_ =	sdelay $0x4  }
0xa2: {  	(v2sf) =	vpush v1, $0x0  }
0xa3: {  	(v2sf) =	vpush v1, $0xF;
	_ =	sdelay $0xd  }
0xa4: {  	p3 =	seq.s32 s20, $0xA0;
	s20 =	smov.u32 s22;
	s25 =	spop (v2sf)  }
0xa5: {  	s22 =	spop (v2sf)  }
0xa6: {  	s22 =	smov.u32 @p1 s25  }
.Ltmp1:
0xa7: {  	p4 =	sgt.s32 @!p3 s22, $0x1387;
	(pc) =	sbr.rel @p2 .LBB2_4-.Ltmp1, $4  }
0xa8: {  	p3 =	por p4, p3  }
0xa9: {  	s22 =	smul.u32 @!p3 $0xAB, s24;
	s25 =	simm.s32 @!p3 $0x1  }
0xaa: {  	_ =	swait.ge @!p3 [sflag:s25], $0x4000  }
0xab: {  	s22 =	sshrl.u32 @!p3 s22, $0x9;
	[sflag:s25] =	ssyncset.done @!p3 $0x0  }
0xac: {  	s21 =	smul.u32 @!p3 $0x3, s22;
	_ =	sdelay $0x1  }
0xad: {  	s28 =	smax.u32 s20, $0x1;
	s21 =	ssub.s32 @!p3 s24, s21  }
0xae: {  	s22 =	sshll.u32 s28, $0x7;
	s21 =	sand.u32 @!p3 $0xFF, s21  }
0xaf: {  	[sflag:s25] =	ssyncadd.s32 @!p3 $0xFFFFC000;
	s22 =	sand.u32 $0x3FFFFF80, s22;
	s21 =	sshll.u32 @!p3 s21, $0xE  }
0xb0: {  	s24 =	simm.s32 @!p3 $0x80;
	s22 =	sor.u32 s10, s22;
	s21 =	sadd.s32 @!p3 $0x5000, s21  }
0xb1: {  	[spmem:s2] =	stream.indirect.scatter.add.f32 @!p3 [tilespmem:s21], [sflag:$0x2], $0x80, s23, s24, $0xb8;
	[tilespmem:$0x1D480] =	vst v63  }
0xb2: {  	v1 =	vld [tilespmem:s22+$0xFFFFFF80];
	_ =	sdelay $0x4  }
0xb3: {  	(v2sf) =	vpush v1, $0x0  }
0xb4: {  	(v2sf) =	vpush v1, $0xF;
	_ =	sdelay $0xd  }
0xb5: {  	s21 =	spop (v2sf)  }
0xb6: {  	s22 =	spop (v2sf)  }
0xb7: {  	p2 =	seq.s32 s20, $0x0;
	s22 =	smov.u32 @p1 s21  }
0xb8: {  	p3 =	sgt.s32 @!p2 s22, $0x1387  }
0xb9: {  	p2 =	por p3, p2  }
0xba: {  	s29 =	smin.u32 s20, $0x9D;
	s22 =	simm.s32 @!p2 $0x2  }
0xbb: {  	s21 =	sadd.s32 $0x2, s29;
	_ =	swait.ge @!p2 [sflag:s22], $0x4000  }
0xbc: {  	s30 =	sshll.u32 s21, $0x7;
	[sflag:s22] =	ssyncset.done @!p2 $0x0  }
0xbd: {  	s23 =	sor.u32 s30, s10;
	[sflag:s22] =	ssyncadd.s32 @!p2 $0xFFFFC000  }
0xbe: {  	v1 =	vld [tilespmem:s23+$0x0];
	_ =	sdelay $0x4  }
0xbf: {  	(v2sf) =	vpush v1, $0x0  }
0xc0: {  	(v2sf) =	vpush v1, $0xF;
	_ =	sdelay $0xd  }
0xc1: {  	s22 =	spop (v2sf)  }
0xc2: {  	s23 =	spop (v2sf)  }
0xc3: {  	p2 =	sgt.u32 s20, $0x9D;
	s23 =	smov.u32 @p1 s22  }
0xc4: {  	p3 =	sgt.s32 @!p2 s23, $0x1387  }
0xc5: {  	p2 =	por p3, p2  }
0xc6: {  	s22 =	smul.u32 @!p2 $0xAB, s21;
	_ =	sdelay $0x1  }
0xc7: {  	s22 =	sshrl.u32 @!p2 s22, $0x9  }
0xc8: {  	s22 =	sand.u32 @!p2 $0x7F, s22  }
0xc9: {  	s22 =	smul.u32 @!p2 $0x3, s22;
	_ =	sdelay $0x1  }
0xca: {  	s23 =	smin.u32 s20, $0x9F;
	s22 =	ssub.s32 @!p2 s21, s22  }
0xcb: {  	s24 =	sshll.u32 s23, $0x7;
	s22 =	sand.u32 @!p2 $0xFF, s22  }
0xcc: {  	s25 =	simm.s32 @!p2 $0x0;
	s21 =	sshll.u32 @!p2 s21, $0xF;
	s22 =	sshll.u32 @!p2 s22, $0xE  }
0xcd: {  	s26 =	sor.u32 s10, s24;
	s21 =	sadd.s32 @!p2 s21, s11;
	s22 =	sadd.s32 @!p2 $0x5000, s22  }
0xce: {  	[tilespmem:s22], [sflag:$0x1] =	stream.linear.gather @!p2 [hbm4b:s21+s25], $0x4000, $0x38;
	[tilespmem:$0x1D480] =	vst v63  }
0xcf: {  	v1 =	vld [tilespmem:s26+$0x0];
	_ =	sdelay $0x4  }
0xd0: {  	(v2sf) =	vpush v1, $0x0  }
0xd1: {  	(v2sf) =	vpush v1, $0xF;
	_ =	sdelay $0xd  }
0xd2: {  	s21 =	spop (v2sf)  }
0xd3: {  	s22 =	spop (v2sf)  }
0xd4: {  	p2 =	seq.s32 s20, $0xA0;
	s22 =	smov.u32 @p1 s21  }
0xd5: {  	p3 =	sgt.s32 @!p2 s22, $0x1387  }
0xd6: {  	p2 =	por p3, p2  }
0xd7: {  	s20 =	smul.u32 @!p2 $0xAB, s23;
	_ =	sdelay $0x1  }
0xd8: {  	s20 =	sshrl.u32 @!p2 s20, $0x9  }
0xd9: {  	s20 =	smul.u32 @!p2 $0x3, s20;
	_ =	sdelay $0x1  }
0xda: {  	s21 =	simm.s32 @!p2 $0x1;
	s20 =	ssub.s32 @!p2 s23, s20  }
0xdb: {  	_ =	swait.ge @!p2 [sflag:s21], $0x4000;
	s20 =	sand.u32 @!p2 $0xFF, s20  }
0xdc: {  	[sflag:s21] =	ssyncset.done @!p2 $0x0;
	s20 =	sshll.u32 @!p2 s20, $0xE  }
0xdd: {  	s22 =	simm.s32 @!p2 $0x80;
	[sflag:s21] =	ssyncadd.s32 @!p2 $0xFFFFC000;
	s20 =	sadd.s32 @!p2 $0x5000, s20  }
0xde: {  	[spmem:s2] =	stream.indirect.scatter.add.f32 @!p2 [tilespmem:s20], [sflag:$0x2], $0x80, s24, s22, $0xb8;
	[tilespmem:$0x1D480] =	vst v63  }
0xdf: {  	s31 =	sshrl.u32 s4, $0x3;
	[bflag:$0x0] =	sbarrier.arrive $0xFFFF  }
0xe0: {  	[hbm:s13], [sflag:s18] =	dma.local [spmem:s31], $0x1380  }
0xe1: {  	_ =	swait.ge [sflag:s17], $0x1380  }
0xe2: {  	s19 =	sadd.s32 $0x1, s19;
	[sflag:s17] =	ssyncset.done $0x0  }
0xe3: {  	s20 =	sshrl.u32 @!p0 s8, $0x3;
	p2 =	sne.s32 s19, s15;
	[sflag:s17] =	ssyncadd.s32 $0xFFFFEC80  }
0xe4: {  	[hbm:s14], [sflag:s18] =	dma.local @!p0 [spmem:s20], $0x80  }
.Ltmp2:
0xe5: {  	_ = 	snop;
	(pc) =	sbr.rel @p2 .LBB2_1-.Ltmp2, $4  }
0xe6: {  	s20 =	simm.s32 @!p0 $0x3  }
0xe7: {  	_ =	swait.ge @!p0 [sflag:s20], $0x80  }
0xe8: {  	[sflag:s20] =	ssyncset.done @!p0 $0x0  }
0xe9: {  	[sflag:s20] =	ssyncadd.s32 @!p0 $0xFFFFFF80  }
0xea: {  	_ =	sfence.sel $0x180000  }
0xeb: {  	[bflag:$0x0] =	sbarrier.arrive $0xFFFF  }
0xec: {  	p0 =	sne.s32 s0, $0x0;
	_ =	strace $0x90000047  }
0xed: {  	s0 =	sadd.s32 @!p0 $0x100000, s1;
	[bflag:$0x2] =	sbarrier.arrive $0xFFFF  }
0xee: {  	[sflag:s0] =	ssyncadd.tile.s32 @!p0 $0x1;
	_ =	shalt  }
.Lfunc_end2:
_tile_overlayer_lowered:
.L_overlay_start_2:
0xef: {  	(tag) =	ssettag $0x2  }
0xf0: {  	s0 =	rddreg [dreg:$0x0];
	s2 =	stileid.u32  }
0xf1: {  	s1 =	rddreg [dreg:$0x1];
	p0 =	sne.s32 s2, $0x0  }
0xf2: {  	s3 =	rddreg [dreg:$0x2];
	[bflag:$0x3] =	sbarrier.arrive $0xFFFF;
	s2 =	simm.s32 @!p0 $0x1C03  }
0xf3: {  	[timem:s3], [sflag:s2] =	dma.local @!p0 [hbm:s0], s1  }
0xf4: {  	s0 =	simm.s32 @!p0 $0x3  }
0xf5: {  	_ =	swait.ge @!p0 [sflag:s0], s1  }
0xf6: {  	s1 =	ssub.s32 @!p0 $0x0, s1;
	[sflag:s0] =	ssyncset.done @!p0 $0x0  }
0xf7: {  	[sflag:s0] =	ssyncadd.s32 @!p0 s1  }
0xf8: {  	[bflag:$0x3] =	sbarrier.arrive $0xFFFF  }
0xf9: {  	_ =	shalt  }

</sc_bundles>
